<compile_context>
chip_gen: v7x
topology: tpu7x:2x2x1
jax: 0.10.2.dev20260603
libtpu: 0.0.44.dev20260713+nightly
codegen_flags: <defaults>
</compile_context>

<pallas_src>
import functools

import jax
import jax.numpy as jnp
from jax.experimental import pallas as pl
from jax.experimental.pallas import tpu as pltpu
from jax.experimental.pallas import tpu_sc as plsc

_ROWS = 8
_SEGCAP = 384
_NC, _NS, _L = 2, 16, 16
_CAP = _L * _SEGCAP
_CAP_A = 3500


def _monotone_key(x):
    xi = jax.lax.bitcast_convert_type(x, jnp.int32)
    return xi ^ (jax.lax.shift_right_arithmetic(xi, 31) & jnp.int32(0x7FFFFFFF))


def _mid(lo, hi):
    return (lo & hi) + jax.lax.shift_right_arithmetic(lo ^ hi, 1)


def _narrow_body(k_ref, x_ref, thr_ref):
    kk = k_ref[0]
    x = x_ref[...]
    key = _monotone_key(x)

    def rsum(a):
        return jnp.sum(a, axis=1, keepdims=True)

    imin = jnp.full((_ROWS, 1), -2147483648, jnp.int32)
    imax = jnp.full((_ROWS, 1), 2147483647, jnp.int32)
    c0 = jnp.full((_ROWS, 1), x.shape[1], jnp.int32)

    def cond(st):
        lo, hi, thr, c = st
        return jnp.any((c > _CAP_A) & (lo < hi))

    def body(st):
        lo, hi, thr, c = st
        mid = _mid(lo, hi)
        cnt = rsum((key > mid).astype(jnp.int32))
        active = (c > _CAP_A) & (lo < hi)
        pred = cnt < kk
        adv = active & ~pred
        return (jnp.where(adv, mid + 1, lo), jnp.where(active & pred, mid, hi),
                jnp.where(adv, mid, thr), jnp.where(adv, cnt, c))

    _, _, thr, c = jax.lax.while_loop(cond, body, (imin, imax, imin, c0))
    thr_ref[...] = thr


def _stage_a(logits, k):
    bsz, v = logits.shape
    nb = bsz // _ROWS
    return pl.pallas_call(
        _narrow_body,
        grid=(nb,),
        in_specs=[
            pl.BlockSpec((1, _ROWS, 1), lambda b: (b, 0, 0)),
            pl.BlockSpec((_ROWS, v), lambda b: (b, 0)),
        ],
        out_specs=pl.BlockSpec((_ROWS, 1), lambda b: (b, 0)),
        out_shape=jax.ShapeDtypeStruct((bsz, 1), jnp.int32),
    )(k.reshape(nb, _ROWS, 1), logits)


def _stage_b(logits, thr):
    bsz, v = logits.shape
    rows_per = bsz // (_NC * _NS)
    thr_b = jnp.broadcast_to(thr.reshape(bsz, 1), (bsz, _L)).astype(jnp.int32)
    mesh = plsc.VectorSubcoreMesh(core_axis_name="c", subcore_axis_name="s")

    @functools.partial(
        pl.kernel, mesh=mesh,
        compiler_params=pltpu.CompilerParams(needs_layout_passes=False),
        out_type=[
            jax.ShapeDtypeStruct((bsz, _CAP), jnp.float32),
            jax.ShapeDtypeStruct((bsz, _CAP), jnp.int32),
        ],
        scratch_types=[
            pltpu.VMEM((v,), jnp.float32),
            pltpu.VMEM((_CAP,), jnp.float32),
            pltpu.VMEM((_CAP,), jnp.int32),
            pltpu.VMEM((_L,), jnp.int32),
        ],
    )
    def sc_compact(x_hbm, thr_hbm, vals_hbm, cols_hbm, row_v, vals_v, cols_v, thr_v):
        wid = jax.lax.axis_index("s") * _NC + jax.lax.axis_index("c")
        lane = jax.lax.iota(jnp.int32, _L)
        neg_inf = jnp.full((_L,), -jnp.inf, jnp.float32)
        for rr in range(rows_per):
            row = wid * rows_per + rr
            pltpu.sync_copy(x_hbm.at[row], row_v)
            pltpu.sync_copy(thr_hbm.at[row], thr_v)
            thrv = thr_v[...]

            @functools.partial(plsc.parallel_loop, 0, _CAP // _L, unroll=8)
            def _prefill(j):
                vals_v[pl.ds(j * _L, _L)] = neg_inf

            seg_end = lane * _SEGCAP + (_SEGCAP - 1)

            @functools.partial(plsc.parallel_loop, 0, v // _L, unroll=8,
                               carry=lane * _SEGCAP)
            def _scan(i, off_v):
                x = row_v[pl.ds(i * _L, _L)]
                xi = jax.lax.bitcast_convert_type(x, jnp.int32)
                key = xi ^ (jax.lax.shift_right_arithmetic(xi, 31)
                            & jnp.int32(0x7FFFFFFF))
                msk = key > thrv
                idx = jnp.minimum(off_v, seg_end)
                plsc.store_scatter(vals_v, [idx], x, mask=msk)
                colv = lane + i * _L
                plsc.store_scatter(cols_v, [idx], colv, mask=msk)
                return off_v + msk.astype(jnp.int32)
            pltpu.sync_copy(vals_v, vals_hbm.at[row])
            pltpu.sync_copy(cols_v, cols_hbm.at[row])

    return sc_compact(logits, thr_b)


def _compact_body(k_ref, p_ref, vals_ref, cols_ref, ub_ref, i1_ref):
    kk = k_ref[0]
    pp = p_ref[0]
    vals = vals_ref[...]
    cols = cols_ref[...]
    bsz = vals.shape[0]

    imin = jnp.full((bsz, 1), -2147483648, jnp.int32)
    imax = jnp.full((bsz, 1), 2147483647, jnp.int32)
    key = _monotone_key(vals)

    def rsum(a):
        return jnp.sum(a, axis=1, keepdims=True)

    def bs_topk(_, c):
        lo, hi = c
        mid = _mid(lo, hi)
        pred = rsum((key > mid).astype(jnp.int32)) < kk
        return jnp.where(pred, lo, mid + 1), jnp.where(pred, mid, hi)

    tk, _ = jax.lax.fori_loop(0, 32, bs_topk, (imin, imax))

    m = jnp.max(vals, axis=1, keepdims=True)
    e = jnp.where(key >= tk, jnp.exp(vals - m), 0.0)
    z = rsum(e)
    pz = pp * z
    kmax = jnp.max(key, axis=1, keepdims=True)

    def cond2(c):
        lo, hi = c
        return jnp.any(lo < hi)

    def bs_topp(c):
        lo, hi = c
        mid = _mid(lo, hi)
        pred = rsum(jnp.where(key > mid, e, 0.0)) < pz
        return jnp.where(pred, lo, mid + 1), jnp.where(pred, mid, hi)

    ub, _ = jax.lax.while_loop(cond2, bs_topp, (tk, kmax))

    gv = rsum(jnp.where(key > ub, e, 0.0))
    qe = jnp.max(jnp.where(key == ub, e, 0.0), axis=1, keepdims=True)
    c_eq = rsum((key == ub).astype(jnp.int32))

    def bs_tie(_, c):
        lo, hi = c
        mid = (lo + hi) // 2
        r = rsum(jnp.where((key == ub) & (cols > mid), 1.0, 0.0))
        pred = gv + r * qe < pz
        return jnp.where(pred, lo, mid + 1), jnp.where(pred, mid, hi)

    def tie_search():
        i1, _ = jax.lax.fori_loop(
            0, 17, bs_tie,
            (jnp.zeros((bsz, 1), jnp.int32),
             jnp.full((bsz, 1), 131071, jnp.int32)))
        return i1

    i1 = jax.lax.cond(jnp.any(c_eq > 1), tie_search,
                      lambda: jnp.zeros((bsz, 1), jnp.int32))
    ub_ref[...] = ub
    i1_ref[...] = i1


def _stage_c(vals, cols, k, p):
    bsz = vals.shape[0]
    return pl.pallas_call(
        _compact_body,
        grid=(1,),
        in_specs=[
            pl.BlockSpec((1, bsz, 1), lambda b: (0, 0, 0)),
            pl.BlockSpec((1, bsz, 1), lambda b: (0, 0, 0)),
            pl.BlockSpec((bsz, _CAP), lambda b: (0, 0)),
            pl.BlockSpec((bsz, _CAP), lambda b: (0, 0)),
        ],
        out_specs=[
            pl.BlockSpec((bsz, 1), lambda b: (0, 0)),
            pl.BlockSpec((bsz, 1), lambda b: (0, 0)),
        ],
        out_shape=[
            jax.ShapeDtypeStruct((bsz, 1), jnp.int32),
            jax.ShapeDtypeStruct((bsz, 1), jnp.int32),
        ],
    )(k.reshape(1, bsz, 1), p.reshape(1, bsz, 1), vals, cols)


def _mask_body(ub_ref, i1_ref, x_ref, o_ref):
    ub = ub_ref[...]
    i1 = i1_ref[...]
    x = x_ref[...]
    key = _monotone_key(x)
    col = jax.lax.broadcasted_iota(jnp.int32, x.shape, 1)
    keep = (key > ub) | ((key == ub) & (col >= i1))
    o_ref[...] = jnp.where(keep, x, -jnp.inf)


def _stage_d(logits, ub, i1):
    bsz, v = logits.shape
    nb = bsz // _ROWS
    return pl.pallas_call(
        _mask_body,
        grid=(nb,),
        in_specs=[
            pl.BlockSpec((_ROWS, 1), lambda b: (b, 0)),
            pl.BlockSpec((_ROWS, 1), lambda b: (b, 0)),
            pl.BlockSpec((_ROWS, v), lambda b: (b, 0)),
        ],
        out_specs=pl.BlockSpec((_ROWS, v), lambda b: (b, 0)),
        out_shape=jax.ShapeDtypeStruct((bsz, v), logits.dtype),
    )(ub, i1, logits)


def kernel(logits, k, p):
    thr = _stage_a(logits, k)
    vals, cols = _stage_b(logits, thr)
    ub, i1 = _stage_c(vals, cols, k, p)
    return _stage_d(logits, ub, i1)

# --- scband reference (transcript-rebuilt; emitter-appended) ---
"""Pipeline reference for scband-top-ktop-psampler-41085657153656 (READ-ONLY COPY).

The authoritative reference and input builder live on the scoring server;
editing this copy changes nothing except your own understanding.
"""

import jax, jax.numpy as jnp
import numpy as np

B, V = 128, 100000


def setup_inputs(seed: int = 0) -> dict:
    key = jax.random.key(seed)
    k1, k2, k3 = jax.random.split(key, 3)
    logits = jax.random.normal(k1, (B, V), dtype=jnp.float32)
    # top-k values per row, in [1, 1024) so index (V - k) is always valid
    k = jax.random.randint(k2, (B,), 1, 1024, dtype=jnp.int32)
    # top-p values per row, in (0, 1]
    p = jax.random.uniform(k3, (B,), dtype=jnp.float32, minval=0.1, maxval=1.0)
    return {"logits": logits, "k": k, "p": p}


def reference(logits, k, p):
    # Faithful translation of apply_top_k_top_p (the path taken when both
    # k and p are provided): sort ascending, threshold by top-k value,
    # then top-p mask on the cumulative softmax, then scatter back to the
    # original vocab order.
    Vn = logits.shape[1]
    order = jnp.argsort(logits, axis=-1)  # ascending
    logits_sort = jnp.take_along_axis(logits, order, axis=-1)
    # top-k mask: value at position (V - k) is the k-th largest
    top_k_idx = (Vn - k).astype(jnp.int32)[:, None]
    top_k_thresh = jnp.take_along_axis(logits_sort, top_k_idx, axis=-1)
    logits_sort = jnp.where(logits_sort < top_k_thresh, -jnp.inf, logits_sort)
    # top-p mask on cumulative softmax (ascending order -> keep tail mass p)
    probs_sort = jax.nn.softmax(logits_sort, axis=-1)
    probs_sum = jnp.cumsum(probs_sort, axis=-1)
    top_p_mask = probs_sum <= (1.0 - p)[:, None]
    top_p_mask = top_p_mask.at[:, -1].set(False)  # always keep at least one token
    logits_sort = jnp.where(top_p_mask, -jnp.inf, logits_sort)
    # scatter back to original positions: out[b, order[b, j]] = logits_sort[b, j]
    rows = jnp.arange(logits.shape[0])[:, None]
    out = jnp.zeros_like(logits).at[rows, order].set(logits_sort)
    return out

if __name__ == "__main__":
    import jax
    _d = setup_inputs()
    print(jax.jit(kernel)(*tuple(_d.values())))

</pallas_src>

<mosaic_0001>
#map = affine_map<(d0, d1) -> (0, 0)>
module attributes {stable_mosaic.version = 14 : i64} {
  func.func @sc_compact(%arg0: i32, %arg1: i32, %arg2: memref<128x100000xf32, #tpu.memory_space<hbm>>, %arg3: memref<128x16xi32, #tpu.memory_space<hbm>>, %arg4: memref<128x6144xf32, #tpu.memory_space<hbm>>, %arg5: memref<128x6144xi32, #tpu.memory_space<hbm>>, %arg6: memref<100000xf32, #tpu.memory_space<vmem>>, %arg7: memref<6144xf32, #tpu.memory_space<vmem>>, %arg8: memref<6144xi32, #tpu.memory_space<vmem>>, %arg9: memref<16xi32, #tpu.memory_space<vmem>>) attributes {dimension_semantics = [#tpu.dimension_semantics<core_parallel>, #tpu.dimension_semantics<subcore_parallel>], iteration_bounds = array<i64: 2, 16>, scalar_prefetch = 0 : i64, scratch_operands = 4 : i64, tpu.core_type = #tpu.core_type<sc_vector_subcore>, window_params = [{transform_indices = #map}, {transform_indices = #map}, {transform_indices = #map}, {transform_indices = #map}]} {
    %mul3A = arith.constant 2 : i32
    %mul3A_0 = arith.muli %arg1, %mul3A : i32
    %add3A = arith.addi %mul3A_0, %arg0 : i32
    %iota3A = tpu.iota {dimensions = array<i32: 0>} : vector<16xi32>
    %broadcast_in_dim3A = arith.constant 0xFF800000 : f32
    %broadcast_in_dim3A_1 = vector.broadcast %broadcast_in_dim3A : f32 to vector<16xf32>
    %mul3A_2 = arith.constant 4 : i32
    %mul3A_3 = arith.muli %add3A, %mul3A_2 : i32
    %add3A_4 = arith.constant 0 : i32
    %add3A_5 = arith.addi %mul3A_3, %add3A_4 : i32
    "tpu.region"() ({
      %run_scoped3A = tpu.sem_alloc : memref<!tpu.dma_semaphore, #tpu.memory_space<semaphore_mem>>
      %dma_start3A = arith.constant 0 : i32
      %dma_start3A_61 = tpu.memref_slice %arg2[%add3A_5, %dma_start3A] : memref<128x100000xf32, #tpu.memory_space<hbm>> -> memref<1x100000xf32, #tpu.memory_space<hbm>>
      %dma_start3A_62 = tpu.memref_squeeze %dma_start3A_61 : memref<1x100000xf32, #tpu.memory_space<hbm>> -> memref<100000xf32, #tpu.memory_space<hbm>>
      %dma_start3A_63 = arith.constant 0 : i32
      %dma_start3A_64 = tpu.memref_slice %arg2[%add3A_5, %dma_start3A_63] : memref<128x100000xf32, #tpu.memory_space<hbm>> -> memref<1x100000xf32, #tpu.memory_space<hbm>>
      %dma_start3A_65 = tpu.memref_squeeze %dma_start3A_64 : memref<1x100000xf32, #tpu.memory_space<hbm>> -> memref<100000xf32, #tpu.memory_space<hbm>>
      tpu.enqueue_dma source(%dma_start3A_65 : memref<100000xf32, #tpu.memory_space<hbm>>) target(%arg6 : memref<100000xf32, #tpu.memory_space<vmem>>) target_semaphore(%run_scoped3A : memref<!tpu.dma_semaphore, #tpu.memory_space<semaphore_mem>>)
      %dma_wait3A = arith.constant 0 : i32
      %dma_wait3A_66 = tpu.memref_slice %arg2[%add3A_5, %dma_wait3A] : memref<128x100000xf32, #tpu.memory_space<hbm>> -> memref<1x100000xf32, #tpu.memory_space<hbm>>
      %dma_wait3A_67 = tpu.memref_squeeze %dma_wait3A_66 : memref<1x100000xf32, #tpu.memory_space<hbm>> -> memref<100000xf32, #tpu.memory_space<hbm>>
      %dma_wait3A_68 = arith.constant 0 : i32
      %dma_wait3A_69 = tpu.memref_slice %arg2[%add3A_5, %dma_wait3A_68] : memref<128x100000xf32, #tpu.memory_space<hbm>> -> memref<1x100000xf32, #tpu.memory_space<hbm>>
      %dma_wait3A_70 = tpu.memref_squeeze %dma_wait3A_69 : memref<1x100000xf32, #tpu.memory_space<hbm>> -> memref<100000xf32, #tpu.memory_space<hbm>>
      tpu.wait_dma2 semaphore(%run_scoped3A : memref<!tpu.dma_semaphore, #tpu.memory_space<semaphore_mem>>) src(%dma_wait3A_70 : memref<100000xf32, #tpu.memory_space<hbm>>) dst(%arg6 : memref<100000xf32, #tpu.memory_space<vmem>>)
      tpu.yield
    }) : () -> ()
    "tpu.region"() ({
      %run_scoped3A = tpu.sem_alloc : memref<!tpu.dma_semaphore, #tpu.memory_space<semaphore_mem>>
      %dma_start3A = arith.constant 0 : i32
      %dma_start3A_61 = tpu.memref_slice %arg3[%add3A_5, %dma_start3A] : memref<128x16xi32, #tpu.memory_space<hbm>> -> memref<1x16xi32, #tpu.memory_space<hbm>>
      %dma_start3A_62 = tpu.memref_squeeze %dma_start3A_61 : memref<1x16xi32, #tpu.memory_space<hbm>> -> memref<16xi32, #tpu.memory_space<hbm>>
      %dma_start3A_63 = arith.constant 0 : i32
      %dma_start3A_64 = tpu.memref_slice %arg3[%add3A_5, %dma_start3A_63] : memref<128x16xi32, #tpu.memory_space<hbm>> -> memref<1x16xi32, #tpu.memory_space<hbm>>
      %dma_start3A_65 = tpu.memref_squeeze %dma_start3A_64 : memref<1x16xi32, #tpu.memory_space<hbm>> -> memref<16xi32, #tpu.memory_space<hbm>>
      tpu.enqueue_dma source(%dma_start3A_65 : memref<16xi32, #tpu.memory_space<hbm>>) target(%arg9 : memref<16xi32, #tpu.memory_space<vmem>>) target_semaphore(%run_scoped3A : memref<!tpu.dma_semaphore, #tpu.memory_space<semaphore_mem>>)
      %dma_wait3A = arith.constant 0 : i32
      %dma_wait3A_66 = tpu.memref_slice %arg3[%add3A_5, %dma_wait3A] : memref<128x16xi32, #tpu.memory_space<hbm>> -> memref<1x16xi32, #tpu.memory_space<hbm>>
      %dma_wait3A_67 = tpu.memref_squeeze %dma_wait3A_66 : memref<1x16xi32, #tpu.memory_space<hbm>> -> memref<16xi32, #tpu.memory_space<hbm>>
      %dma_wait3A_68 = arith.constant 0 : i32
      %dma_wait3A_69 = tpu.memref_slice %arg3[%add3A_5, %dma_wait3A_68] : memref<128x16xi32, #tpu.memory_space<hbm>> -> memref<1x16xi32, #tpu.memory_space<hbm>>
      %dma_wait3A_70 = tpu.memref_squeeze %dma_wait3A_69 : memref<1x16xi32, #tpu.memory_space<hbm>> -> memref<16xi32, #tpu.memory_space<hbm>>
      tpu.wait_dma2 semaphore(%run_scoped3A : memref<!tpu.dma_semaphore, #tpu.memory_space<semaphore_mem>>) src(%dma_wait3A_70 : memref<16xi32, #tpu.memory_space<hbm>>) dst(%arg9 : memref<16xi32, #tpu.memory_space<vmem>>)
      tpu.yield
    }) : () -> ()
    %get3A = arith.constant 0 : index
    %get3A_6 = tpu.vector_load %arg9[%get3A] {strides = array<i32>} : memref<16xi32, #tpu.memory_space<vmem>>, vector<16xi32>,
    %mul3A_7 = arith.constant 384 : i32
    %mul3A_8 = vector.broadcast %mul3A_7 : i32 to vector<16xi32>
    %mul3A_9 = arith.muli %iota3A, %mul3A_8 : vector<16xi32>
    %add3A_10 = arith.constant 383 : i32
    %add3A_11 = vector.broadcast %add3A_10 : i32 to vector<16xi32>
    %add3A_12 = arith.addi %mul3A_9, %add3A_11 : vector<16xi32>
    %mul3A_13 = arith.constant 384 : i32
    %mul3A_14 = vector.broadcast %mul3A_13 : i32 to vector<16xi32>
    %mul3A_15 = arith.muli %iota3A, %mul3A_14 : vector<16xi32>
    "tpu.region"() ({
      %run_scoped3A = tpu.sem_alloc : memref<!tpu.dma_semaphore, #tpu.memory_space<semaphore_mem>>
      %dma_start3A = arith.constant 0 : i32
      %dma_start3A_61 = tpu.memref_slice %arg4[%add3A_5, %dma_start3A] : memref<128x6144xf32, #tpu.memory_space<hbm>> -> memref<1x6144xf32, #tpu.memory_space<hbm>>
      %dma_start3A_62 = tpu.memref_squeeze %dma_start3A_61 : memref<1x6144xf32, #tpu.memory_space<hbm>> -> memref<6144xf32, #tpu.memory_space<hbm>>
      %dma_start3A_63 = arith.constant 0 : i32
      %dma_start3A_64 = tpu.memref_slice %arg4[%add3A_5, %dma_start3A_63] : memref<128x6144xf32, #tpu.memory_space<hbm>> -> memref<1x6144xf32, #tpu.memory_space<hbm>>
      %dma_start3A_65 = tpu.memref_squeeze %dma_start3A_64 : memref<1x6144xf32, #tpu.memory_space<hbm>> -> memref<6144xf32, #tpu.memory_space<hbm>>
      tpu.enqueue_dma source(%arg7 : memref<6144xf32, #tpu.memory_space<vmem>>) target(%dma_start3A_65 : memref<6144xf32, #tpu.memory_space<hbm>>) target_semaphore(%run_scoped3A : memref<!tpu.dma_semaphore, #tpu.memory_space<semaphore_mem>>)
      %dma_wait3A = arith.constant 0 : i32
      %dma_wait3A_66 = tpu.memref_slice %arg4[%add3A_5, %dma_wait3A] : memref<128x6144xf32, #tpu.memory_space<hbm>> -> memref<1x6144xf32, #tpu.memory_space<hbm>>
      %dma_wait3A_67 = tpu.memref_squeeze %dma_wait3A_66 : memref<1x6144xf32, #tpu.memory_space<hbm>> -> memref<6144xf32, #tpu.memory_space<hbm>>
      %dma_wait3A_68 = arith.constant 0 : i32
      %dma_wait3A_69 = tpu.memref_slice %arg4[%add3A_5, %dma_wait3A_68] : memref<128x6144xf32, #tpu.memory_space<hbm>> -> memref<1x6144xf32, #tpu.memory_space<hbm>>
      %dma_wait3A_70 = tpu.memref_squeeze %dma_wait3A_69 : memref<1x6144xf32, #tpu.memory_space<hbm>> -> memref<6144xf32, #tpu.memory_space<hbm>>
      tpu.wait_dma2 semaphore(%run_scoped3A : memref<!tpu.dma_semaphore, #tpu.memory_space<semaphore_mem>>) src(%arg7 : memref<6144xf32, #tpu.memory_space<vmem>>) dst(%dma_wait3A_70 : memref<6144xf32, #tpu.memory_space<hbm>>)
      tpu.yield
    }) : () -> ()
    "tpu.region"() ({
      %run_scoped3A = tpu.sem_alloc : memref<!tpu.dma_semaphore, #tpu.memory_space<semaphore_mem>>
      %dma_start3A = arith.constant 0 : i32
      %dma_start3A_61 = tpu.memref_slice %arg5[%add3A_5, %dma_start3A] : memref<128x6144xi32, #tpu.memory_space<hbm>> -> memref<1x6144xi32, #tpu.memory_space<hbm>>
      %dma_start3A_62 = tpu.memref_squeeze %dma_start3A_61 : memref<1x6144xi32, #tpu.memory_space<hbm>> -> memref<6144xi32, #tpu.memory_space<hbm>>
      %dma_start3A_63 = arith.constant 0 : i32
      %dma_start3A_64 = tpu.memref_slice %arg5[%add3A_5, %dma_start3A_63] : memref<128x6144xi32, #tpu.memory_space<hbm>> -> memref<1x6144xi32, #tpu.memory_space<hbm>>
      %dma_start3A_65 = tpu.memref_squeeze %dma_start3A_64 : memref<1x6144xi32, #tpu.memory_space<hbm>> -> memref<6144xi32, #tpu.memory_space<hbm>>
      tpu.enqueue_dma source(%arg8 : memref<6144xi32, #tpu.memory_space<vmem>>) target(%dma_start3A_65 : memref<6144xi32, #tpu.memory_space<hbm>>) target_semaphore(%run_scoped3A : memref<!tpu.dma_semaphore, #tpu.memory_space<semaphore_mem>>)
      %dma_wait3A = arith.constant 0 : i32
      %dma_wait3A_66 = tpu.memref_slice %arg5[%add3A_5, %dma_wait3A] : memref<128x6144xi32, #tpu.memory_space<hbm>> -> memref<1x6144xi32, #tpu.memory_space<hbm>>
      %dma_wait3A_67 = tpu.memref_squeeze %dma_wait3A_66 : memref<1x6144xi32, #tpu.memory_space<hbm>> -> memref<6144xi32, #tpu.memory_space<hbm>>
      %dma_wait3A_68 = arith.constant 0 : i32
      %dma_wait3A_69 = tpu.memref_slice %arg5[%add3A_5, %dma_wait3A_68] : memref<128x6144xi32, #tpu.memory_space<hbm>> -> memref<1x6144xi32, #tpu.memory_space<hbm>>
      %dma_wait3A_70 = tpu.memref_squeeze %dma_wait3A_69 : memref<1x6144xi32, #tpu.memory_space<hbm>> -> memref<6144xi32, #tpu.memory_space<hbm>>
      tpu.wait_dma2 semaphore(%run_scoped3A : memref<!tpu.dma_semaphore, #tpu.memory_space<semaphore_mem>>) src(%arg8 : memref<6144xi32, #tpu.memory_space<vmem>>) dst(%dma_wait3A_70 : memref<6144xi32, #tpu.memory_space<hbm>>)
      tpu.yield
    }) : () -> ()
    %mul3A_16 = arith.constant 4 : i32
    %mul3A_17 = arith.muli %add3A, %mul3A_16 : i32
    %add3A_18 = arith.constant 1 : i32
    %add3A_19 = arith.addi %mul3A_17, %add3A_18 : i32
    "tpu.region"() ({
      %run_scoped3A = tpu.sem_alloc : memref<!tpu.dma_semaphore, #tpu.memory_space<semaphore_mem>>
      %dma_start3A = arith.constant 0 : i32
      %dma_start3A_61 = tpu.memref_slice %arg2[%add3A_19, %dma_start3A] : memref<128x100000xf32, #tpu.memory_space<hbm>> -> memref<1x100000xf32, #tpu.memory_space<hbm>>
      %dma_start3A_62 = tpu.memref_squeeze %dma_start3A_61 : memref<1x100000xf32, #tpu.memory_space<hbm>> -> memref<100000xf32, #tpu.memory_space<hbm>>
      %dma_start3A_63 = arith.constant 0 : i32
      %dma_start3A_64 = tpu.memref_slice %arg2[%add3A_19, %dma_start3A_63] : memref<128x100000xf32, #tpu.memory_space<hbm>> -> memref<1x100000xf32, #tpu.memory_space<hbm>>
      %dma_start3A_65 = tpu.memref_squeeze %dma_start3A_64 : memref<1x100000xf32, #tpu.memory_space<hbm>> -> memref<100000xf32, #tpu.memory_space<hbm>>
      tpu.enqueue_dma source(%dma_start3A_65 : memref<100000xf32, #tpu.memory_space<hbm>>) target(%arg6 : memref<100000xf32, #tpu.memory_space<vmem>>) target_semaphore(%run_scoped3A : memref<!tpu.dma_semaphore, #tpu.memory_space<semaphore_mem>>)
      %dma_wait3A = arith.constant 0 : i32
      %dma_wait3A_66 = tpu.memref_slice %arg2[%add3A_19, %dma_wait3A] : memref<128x100000xf32, #tpu.memory_space<hbm>> -> memref<1x100000xf32, #tpu.memory_space<hbm>>
      %dma_wait3A_67 = tpu.memref_squeeze %dma_wait3A_66 : memref<1x100000xf32, #tpu.memory_space<hbm>> -> memref<100000xf32, #tpu.memory_space<hbm>>
      %dma_wait3A_68 = arith.constant 0 : i32
      %dma_wait3A_69 = tpu.memref_slice %arg2[%add3A_19, %dma_wait3A_68] : memref<128x100000xf32, #tpu.memory_space<hbm>> -> memref<1x100000xf32, #tpu.memory_space<hbm>>
      %dma_wait3A_70 = tpu.memref_squeeze %dma_wait3A_69 : memref<1x100000xf32, #tpu.memory_space<hbm>> -> memref<100000xf32, #tpu.memory_space<hbm>>
      tpu.wait_dma2 semaphore(%run_scoped3A : memref<!tpu.dma_semaphore, #tpu.memory_space<semaphore_mem>>) src(%dma_wait3A_70 : memref<100000xf32, #tpu.memory_space<hbm>>) dst(%arg6 : memref<100000xf32, #tpu.memory_space<vmem>>)
      tpu.yield
    }) : () -> ()
    "tpu.region"() ({
      %run_scoped3A = tpu.sem_alloc : memref<!tpu.dma_semaphore, #tpu.memory_space<semaphore_mem>>
      %dma_start3A = arith.constant 0 : i32
      %dma_start3A_61 = tpu.memref_slice %arg3[%add3A_19, %dma_start3A] : memref<128x16xi32, #tpu.memory_space<hbm>> -> memref<1x16xi32, #tpu.memory_space<hbm>>
      %dma_start3A_62 = tpu.memref_squeeze %dma_start3A_61 : memref<1x16xi32, #tpu.memory_space<hbm>> -> memref<16xi32, #tpu.memory_space<hbm>>
      %dma_start3A_63 = arith.constant 0 : i32
      %dma_start3A_64 = tpu.memref_slice %arg3[%add3A_19, %dma_start3A_63] : memref<128x16xi32, #tpu.memory_space<hbm>> -> memref<1x16xi32, #tpu.memory_space<hbm>>
      %dma_start3A_65 = tpu.memref_squeeze %dma_start3A_64 : memref<1x16xi32, #tpu.memory_space<hbm>> -> memref<16xi32, #tpu.memory_space<hbm>>
      tpu.enqueue_dma source(%dma_start3A_65 : memref<16xi32, #tpu.memory_space<hbm>>) target(%arg9 : memref<16xi32, #tpu.memory_space<vmem>>) target_semaphore(%run_scoped3A : memref<!tpu.dma_semaphore, #tpu.memory_space<semaphore_mem>>)
      %dma_wait3A = arith.constant 0 : i32
      %dma_wait3A_66 = tpu.memref_slice %arg3[%add3A_19, %dma_wait3A] : memref<128x16xi32, #tpu.memory_space<hbm>> -> memref<1x16xi32, #tpu.memory_space<hbm>>
      %dma_wait3A_67 = tpu.memref_squeeze %dma_wait3A_66 : memref<1x16xi32, #tpu.memory_space<hbm>> -> memref<16xi32, #tpu.memory_space<hbm>>
      %dma_wait3A_68 = arith.constant 0 : i32
      %dma_wait3A_69 = tpu.memref_slice %arg3[%add3A_19, %dma_wait3A_68] : memref<128x16xi32, #tpu.memory_space<hbm>> -> memref<1x16xi32, #tpu.memory_space<hbm>>
      %dma_wait3A_70 = tpu.memref_squeeze %dma_wait3A_69 : memref<1x16xi32, #tpu.memory_space<hbm>> -> memref<16xi32, #tpu.memory_space<hbm>>
      tpu.wait_dma2 semaphore(%run_scoped3A : memref<!tpu.dma_semaphore, #tpu.memory_space<semaphore_mem>>) src(%dma_wait3A_70 : memref<16xi32, #tpu.memory_space<hbm>>) dst(%arg9 : memref<16xi32, #tpu.memory_space<vmem>>)
      tpu.yield
    }) : () -> ()
    %get3A_20 = arith.constant 0 : index
    %get3A_21 = tpu.vector_load %arg9[%get3A_20] {strides = array<i32>} : memref<16xi32, #tpu.memory_space<vmem>>, vector<16xi32>,
    %mul3A_22 = arith.constant 384 : i32
    %mul3A_23 = vector.broadcast %mul3A_22 : i32 to vector<16xi32>
    %mul3A_24 = arith.muli %iota3A, %mul3A_23 : vector<16xi32>
    %add3A_25 = arith.constant 383 : i32
    %add3A_26 = vector.broadcast %add3A_25 : i32 to vector<16xi32>
    %add3A_27 = arith.addi %mul3A_24, %add3A_26 : vector<16xi32>
    %mul3A_28 = arith.constant 384 : i32
    %mul3A_29 = vector.broadcast %mul3A_28 : i32 to vector<16xi32>
    %mul3A_30 = arith.muli %iota3A, %mul3A_29 : vector<16xi32>
    "tpu.region"() ({
      %run_scoped3A = tpu.sem_alloc : memref<!tpu.dma_semaphore, #tpu.memory_space<semaphore_mem>>
      %dma_start3A = arith.constant 0 : i32
      %dma_start3A_61 = tpu.memref_slice %arg4[%add3A_19, %dma_start3A] : memref<128x6144xf32, #tpu.memory_space<hbm>> -> memref<1x6144xf32, #tpu.memory_space<hbm>>
      %dma_start3A_62 = tpu.memref_squeeze %dma_start3A_61 : memref<1x6144xf32, #tpu.memory_space<hbm>> -> memref<6144xf32, #tpu.memory_space<hbm>>
      %dma_start3A_63 = arith.constant 0 : i32
      %dma_start3A_64 = tpu.memref_slice %arg4[%add3A_19, %dma_start3A_63] : memref<128x6144xf32, #tpu.memory_space<hbm>> -> memref<1x6144xf32, #tpu.memory_space<hbm>>
      %dma_start3A_65 = tpu.memref_squeeze %dma_start3A_64 : memref<1x6144xf32, #tpu.memory_space<hbm>> -> memref<6144xf32, #tpu.memory_space<hbm>>
      tpu.enqueue_dma source(%arg7 : memref<6144xf32, #tpu.memory_space<vmem>>) target(%dma_start3A_65 : memref<6144xf32, #tpu.memory_space<hbm>>) target_semaphore(%run_scoped3A : memref<!tpu.dma_semaphore, #tpu.memory_space<semaphore_mem>>)
      %dma_wait3A = arith.constant 0 : i32
      %dma_wait3A_66 = tpu.memref_slice %arg4[%add3A_19, %dma_wait3A] : memref<128x6144xf32, #tpu.memory_space<hbm>> -> memref<1x6144xf32, #tpu.memory_space<hbm>>
      %dma_wait3A_67 = tpu.memref_squeeze %dma_wait3A_66 : memref<1x6144xf32, #tpu.memory_space<hbm>> -> memref<6144xf32, #tpu.memory_space<hbm>>
      %dma_wait3A_68 = arith.constant 0 : i32
      %dma_wait3A_69 = tpu.memref_slice %arg4[%add3A_19, %dma_wait3A_68] : memref<128x6144xf32, #tpu.memory_space<hbm>> -> memref<1x6144xf32, #tpu.memory_space<hbm>>
      %dma_wait3A_70 = tpu.memref_squeeze %dma_wait3A_69 : memref<1x6144xf32, #tpu.memory_space<hbm>> -> memref<6144xf32, #tpu.memory_space<hbm>>
      tpu.wait_dma2 semaphore(%run_scoped3A : memref<!tpu.dma_semaphore, #tpu.memory_space<semaphore_mem>>) src(%arg7 : memref<6144xf32, #tpu.memory_space<vmem>>) dst(%dma_wait3A_70 : memref<6144xf32, #tpu.memory_space<hbm>>)
      tpu.yield
    }) : () -> ()
    "tpu.region"() ({
      %run_scoped3A = tpu.sem_alloc : memref<!tpu.dma_semaphore, #tpu.memory_space<semaphore_mem>>
      %dma_start3A = arith.constant 0 : i32
      %dma_start3A_61 = tpu.memref_slice %arg5[%add3A_19, %dma_start3A] : memref<128x6144xi32, #tpu.memory_space<hbm>> -> memref<1x6144xi32, #tpu.memory_space<hbm>>
      %dma_start3A_62 = tpu.memref_squeeze %dma_start3A_61 : memref<1x6144xi32, #tpu.memory_space<hbm>> -> memref<6144xi32, #tpu.memory_space<hbm>>
      %dma_start3A_63 = arith.constant 0 : i32
      %dma_start3A_64 = tpu.memref_slice %arg5[%add3A_19, %dma_start3A_63] : memref<128x6144xi32, #tpu.memory_space<hbm>> -> memref<1x6144xi32, #tpu.memory_space<hbm>>
      %dma_start3A_65 = tpu.memref_squeeze %dma_start3A_64 : memref<1x6144xi32, #tpu.memory_space<hbm>> -> memref<6144xi32, #tpu.memory_space<hbm>>
      tpu.enqueue_dma source(%arg8 : memref<6144xi32, #tpu.memory_space<vmem>>) target(%dma_start3A_65 : memref<6144xi32, #tpu.memory_space<hbm>>) target_semaphore(%run_scoped3A : memref<!tpu.dma_semaphore, #tpu.memory_space<semaphore_mem>>)
      %dma_wait3A = arith.constant 0 : i32
      %dma_wait3A_66 = tpu.memref_slice %arg5[%add3A_19, %dma_wait3A] : memref<128x6144xi32, #tpu.memory_space<hbm>> -> memref<1x6144xi32, #tpu.memory_space<hbm>>
      %dma_wait3A_67 = tpu.memref_squeeze %dma_wait3A_66 : memref<1x6144xi32, #tpu.memory_space<hbm>> -> memref<6144xi32, #tpu.memory_space<hbm>>
      %dma_wait3A_68 = arith.constant 0 : i32
      %dma_wait3A_69 = tpu.memref_slice %arg5[%add3A_19, %dma_wait3A_68] : memref<128x6144xi32, #tpu.memory_space<hbm>> -> memref<1x6144xi32, #tpu.memory_space<hbm>>
      %dma_wait3A_70 = tpu.memref_squeeze %dma_wait3A_69 : memref<1x6144xi32, #tpu.memory_space<hbm>> -> memref<6144xi32, #tpu.memory_space<hbm>>
      tpu.wait_dma2 semaphore(%run_scoped3A : memref<!tpu.dma_semaphore, #tpu.memory_space<semaphore_mem>>) src(%arg8 : memref<6144xi32, #tpu.memory_space<vmem>>) dst(%dma_wait3A_70 : memref<6144xi32, #tpu.memory_space<hbm>>)
      tpu.yield
    }) : () -> ()
    %mul3A_31 = arith.constant 4 : i32
    %mul3A_32 = arith.muli %add3A, %mul3A_31 : i32
    %add3A_33 = arith.constant 2 : i32
    %add3A_34 = arith.addi %mul3A_32, %add3A_33 : i32
    "tpu.region"() ({
      %run_scoped3A = tpu.sem_alloc : memref<!tpu.dma_semaphore, #tpu.memory_space<semaphore_mem>>
      %dma_start3A = arith.constant 0 : i32
      %dma_start3A_61 = tpu.memref_slice %arg2[%add3A_34, %dma_start3A] : memref<128x100000xf32, #tpu.memory_space<hbm>> -> memref<1x100000xf32, #tpu.memory_space<hbm>>
      %dma_start3A_62 = tpu.memref_squeeze %dma_start3A_61 : memref<1x100000xf32, #tpu.memory_space<hbm>> -> memref<100000xf32, #tpu.memory_space<hbm>>
      %dma_start3A_63 = arith.constant 0 : i32
      %dma_start3A_64 = tpu.memref_slice %arg2[%add3A_34, %dma_start3A_63] : memref<128x100000xf32, #tpu.memory_space<hbm>> -> memref<1x100000xf32, #tpu.memory_space<hbm>>
      %dma_start3A_65 = tpu.memref_squeeze %dma_start3A_64 : memref<1x100000xf32, #tpu.memory_space<hbm>> -> memref<100000xf32, #tpu.memory_space<hbm>>
      tpu.enqueue_dma source(%dma_start3A_65 : memref<100000xf32, #tpu.memory_space<hbm>>) target(%arg6 : memref<100000xf32, #tpu.memory_space<vmem>>) target_semaphore(%run_scoped3A : memref<!tpu.dma_semaphore, #tpu.memory_space<semaphore_mem>>)
      %dma_wait3A = arith.constant 0 : i32
      %dma_wait3A_66 = tpu.memref_slice %arg2[%add3A_34, %dma_wait3A] : memref<128x100000xf32, #tpu.memory_space<hbm>> -> memref<1x100000xf32, #tpu.memory_space<hbm>>
      %dma_wait3A_67 = tpu.memref_squeeze %dma_wait3A_66 : memref<1x100000xf32, #tpu.memory_space<hbm>> -> memref<100000xf32, #tpu.memory_space<hbm>>
      %dma_wait3A_68 = arith.constant 0 : i32
      %dma_wait3A_69 = tpu.memref_slice %arg2[%add3A_34, %dma_wait3A_68] : memref<128x100000xf32, #tpu.memory_space<hbm>> -> memref<1x100000xf32, #tpu.memory_space<hbm>>
      %dma_wait3A_70 = tpu.memref_squeeze %dma_wait3A_69 : memref<1x100000xf32, #tpu.memory_space<hbm>> -> memref<100000xf32, #tpu.memory_space<hbm>>
      tpu.wait_dma2 semaphore(%run_scoped3A : memref<!tpu.dma_semaphore, #tpu.memory_space<semaphore_mem>>) src(%dma_wait3A_70 : memref<100000xf32, #tpu.memory_space<hbm>>) dst(%arg6 : memref<100000xf32, #tpu.memory_space<vmem>>)
      tpu.yield
    }) : () -> ()
    "tpu.region"() ({
      %run_scoped3A = tpu.sem_alloc : memref<!tpu.dma_semaphore, #tpu.memory_space<semaphore_mem>>
      %dma_start3A = arith.constant 0 : i32
      %dma_start3A_61 = tpu.memref_slice %arg3[%add3A_34, %dma_start3A] : memref<128x16xi32, #tpu.memory_space<hbm>> -> memref<1x16xi32, #tpu.memory_space<hbm>>
      %dma_start3A_62 = tpu.memref_squeeze %dma_start3A_61 : memref<1x16xi32, #tpu.memory_space<hbm>> -> memref<16xi32, #tpu.memory_space<hbm>>
      %dma_start3A_63 = arith.constant 0 : i32
      %dma_start3A_64 = tpu.memref_slice %arg3[%add3A_34, %dma_start3A_63] : memref<128x16xi32, #tpu.memory_space<hbm>> -> memref<1x16xi32, #tpu.memory_space<hbm>>
      %dma_start3A_65 = tpu.memref_squeeze %dma_start3A_64 : memref<1x16xi32, #tpu.memory_space<hbm>> -> memref<16xi32, #tpu.memory_space<hbm>>
      tpu.enqueue_dma source(%dma_start3A_65 : memref<16xi32, #tpu.memory_space<hbm>>) target(%arg9 : memref<16xi32, #tpu.memory_space<vmem>>) target_semaphore(%run_scoped3A : memref<!tpu.dma_semaphore, #tpu.memory_space<semaphore_mem>>)
      %dma_wait3A = arith.constant 0 : i32
      %dma_wait3A_66 = tpu.memref_slice %arg3[%add3A_34, %dma_wait3A] : memref<128x16xi32, #tpu.memory_space<hbm>> -> memref<1x16xi32, #tpu.memory_space<hbm>>
      %dma_wait3A_67 = tpu.memref_squeeze %dma_wait3A_66 : memref<1x16xi32, #tpu.memory_space<hbm>> -> memref<16xi32, #tpu.memory_space<hbm>>
      %dma_wait3A_68 = arith.constant 0 : i32
      %dma_wait3A_69 = tpu.memref_slice %arg3[%add3A_34, %dma_wait3A_68] : memref<128x16xi32, #tpu.memory_space<hbm>> -> memref<1x16xi32, #tpu.memory_space<hbm>>
      %dma_wait3A_70 = tpu.memref_squeeze %dma_wait3A_69 : memref<1x16xi32, #tpu.memory_space<hbm>> -> memref<16xi32, #tpu.memory_space<hbm>>
      tpu.wait_dma2 semaphore(%run_scoped3A : memref<!tpu.dma_semaphore, #tpu.memory_space<semaphore_mem>>) src(%dma_wait3A_70 : memref<16xi32, #tpu.memory_space<hbm>>) dst(%arg9 : memref<16xi32, #tpu.memory_space<vmem>>)
      tpu.yield
    }) : () -> ()
    %get3A_35 = arith.constant 0 : index
    %get3A_36 = tpu.vector_load %arg9[%get3A_35] {strides = array<i32>} : memref<16xi32, #tpu.memory_space<vmem>>, vector<16xi32>,
    %mul3A_37 = arith.constant 384 : i32
    %mul3A_38 = vector.broadcast %mul3A_37 : i32 to vector<16xi32>
    %mul3A_39 = arith.muli %iota3A, %mul3A_38 : vector<16xi32>
    %add3A_40 = arith.constant 383 : i32
    %add3A_41 = vector.broadcast %add3A_40 : i32 to vector<16xi32>
    %add3A_42 = arith.addi %mul3A_39, %add3A_41 : vector<16xi32>
    %mul3A_43 = arith.constant 384 : i32
    %mul3A_44 = vector.broadcast %mul3A_43 : i32 to vector<16xi32>
    %mul3A_45 = arith.muli %iota3A, %mul3A_44 : vector<16xi32>
    "tpu.region"() ({
      %run_scoped3A = tpu.sem_alloc : memref<!tpu.dma_semaphore, #tpu.memory_space<semaphore_mem>>
      %dma_start3A = arith.constant 0 : i32
      %dma_start3A_61 = tpu.memref_slice %arg4[%add3A_34, %dma_start3A] : memref<128x6144xf32, #tpu.memory_space<hbm>> -> memref<1x6144xf32, #tpu.memory_space<hbm>>
      %dma_start3A_62 = tpu.memref_squeeze %dma_start3A_61 : memref<1x6144xf32, #tpu.memory_space<hbm>> -> memref<6144xf32, #tpu.memory_space<hbm>>
      %dma_start3A_63 = arith.constant 0 : i32
      %dma_start3A_64 = tpu.memref_slice %arg4[%add3A_34, %dma_start3A_63] : memref<128x6144xf32, #tpu.memory_space<hbm>> -> memref<1x6144xf32, #tpu.memory_space<hbm>>
      %dma_start3A_65 = tpu.memref_squeeze %dma_start3A_64 : memref<1x6144xf32, #tpu.memory_space<hbm>> -> memref<6144xf32, #tpu.memory_space<hbm>>
      tpu.enqueue_dma source(%arg7 : memref<6144xf32, #tpu.memory_space<vmem>>) target(%dma_start3A_65 : memref<6144xf32, #tpu.memory_space<hbm>>) target_semaphore(%run_scoped3A : memref<!tpu.dma_semaphore, #tpu.memory_space<semaphore_mem>>)
      %dma_wait3A = arith.constant 0 : i32
      %dma_wait3A_66 = tpu.memref_slice %arg4[%add3A_34, %dma_wait3A] : memref<128x6144xf32, #tpu.memory_space<hbm>> -> memref<1x6144xf32, #tpu.memory_space<hbm>>
      %dma_wait3A_67 = tpu.memref_squeeze %dma_wait3A_66 : memref<1x6144xf32, #tpu.memory_space<hbm>> -> memref<6144xf32, #tpu.memory_space<hbm>>
      %dma_wait3A_68 = arith.constant 0 : i32
      %dma_wait3A_69 = tpu.memref_slice %arg4[%add3A_34, %dma_wait3A_68] : memref<128x6144xf32, #tpu.memory_space<hbm>> -> memref<1x6144xf32, #tpu.memory_space<hbm>>
      %dma_wait3A_70 = tpu.memref_squeeze %dma_wait3A_69 : memref<1x6144xf32, #tpu.memory_space<hbm>> -> memref<6144xf32, #tpu.memory_space<hbm>>
      tpu.wait_dma2 semaphore(%run_scoped3A : memref<!tpu.dma_semaphore, #tpu.memory_space<semaphore_mem>>) src(%arg7 : memref<6144xf32, #tpu.memory_space<vmem>>) dst(%dma_wait3A_70 : memref<6144xf32, #tpu.memory_space<hbm>>)
      tpu.yield
    }) : () -> ()
    "tpu.region"() ({
      %run_scoped3A = tpu.sem_alloc : memref<!tpu.dma_semaphore, #tpu.memory_space<semaphore_mem>>
      %dma_start3A = arith.constant 0 : i32
      %dma_start3A_61 = tpu.memref_slice %arg5[%add3A_34, %dma_start3A] : memref<128x6144xi32, #tpu.memory_space<hbm>> -> memref<1x6144xi32, #tpu.memory_space<hbm>>
      %dma_start3A_62 = tpu.memref_squeeze %dma_start3A_61 : memref<1x6144xi32, #tpu.memory_space<hbm>> -> memref<6144xi32, #tpu.memory_space<hbm>>
      %dma_start3A_63 = arith.constant 0 : i32
      %dma_start3A_64 = tpu.memref_slice %arg5[%add3A_34, %dma_start3A_63] : memref<128x6144xi32, #tpu.memory_space<hbm>> -> memref<1x6144xi32, #tpu.memory_space<hbm>>
      %dma_start3A_65 = tpu.memref_squeeze %dma_start3A_64 : memref<1x6144xi32, #tpu.memory_space<hbm>> -> memref<6144xi32, #tpu.memory_space<hbm>>
      tpu.enqueue_dma source(%arg8 : memref<6144xi32, #tpu.memory_space<vmem>>) target(%dma_start3A_65 : memref<6144xi32, #tpu.memory_space<hbm>>) target_semaphore(%run_scoped3A : memref<!tpu.dma_semaphore, #tpu.memory_space<semaphore_mem>>)
      %dma_wait3A = arith.constant 0 : i32
      %dma_wait3A_66 = tpu.memref_slice %arg5[%add3A_34, %dma_wait3A] : memref<128x6144xi32, #tpu.memory_space<hbm>> -> memref<1x6144xi32, #tpu.memory_space<hbm>>
      %dma_wait3A_67 = tpu.memref_squeeze %dma_wait3A_66 : memref<1x6144xi32, #tpu.memory_space<hbm>> -> memref<6144xi32, #tpu.memory_space<hbm>>
      %dma_wait3A_68 = arith.constant 0 : i32
      %dma_wait3A_69 = tpu.memref_slice %arg5[%add3A_34, %dma_wait3A_68] : memref<128x6144xi32, #tpu.memory_space<hbm>> -> memref<1x6144xi32, #tpu.memory_space<hbm>>
      %dma_wait3A_70 = tpu.memref_squeeze %dma_wait3A_69 : memref<1x6144xi32, #tpu.memory_space<hbm>> -> memref<6144xi32, #tpu.memory_space<hbm>>
      tpu.wait_dma2 semaphore(%run_scoped3A : memref<!tpu.dma_semaphore, #tpu.memory_space<semaphore_mem>>) src(%arg8 : memref<6144xi32, #tpu.memory_space<vmem>>) dst(%dma_wait3A_70 : memref<6144xi32, #tpu.memory_space<hbm>>)
      tpu.yield
    }) : () -> ()
    %mul3A_46 = arith.constant 4 : i32
    %mul3A_47 = arith.muli %add3A, %mul3A_46 : i32
    %add3A_48 = arith.constant 3 : i32
    %add3A_49 = arith.addi %mul3A_47, %add3A_48 : i32
    "tpu.region"() ({
      %run_scoped3A = tpu.sem_alloc : memref<!tpu.dma_semaphore, #tpu.memory_space<semaphore_mem>>
      %dma_start3A = arith.constant 0 : i32
      %dma_start3A_61 = tpu.memref_slice %arg2[%add3A_49, %dma_start3A] : memref<128x100000xf32, #tpu.memory_space<hbm>> -> memref<1x100000xf32, #tpu.memory_space<hbm>>
      %dma_start3A_62 = tpu.memref_squeeze %dma_start3A_61 : memref<1x100000xf32, #tpu.memory_space<hbm>> -> memref<100000xf32, #tpu.memory_space<hbm>>
      %dma_start3A_63 = arith.constant 0 : i32
      %dma_start3A_64 = tpu.memref_slice %arg2[%add3A_49, %dma_start3A_63] : memref<128x100000xf32, #tpu.memory_space<hbm>> -> memref<1x100000xf32, #tpu.memory_space<hbm>>
      %dma_start3A_65 = tpu.memref_squeeze %dma_start3A_64 : memref<1x100000xf32, #tpu.memory_space<hbm>> -> memref<100000xf32, #tpu.memory_space<hbm>>
      tpu.enqueue_dma source(%dma_start3A_65 : memref<100000xf32, #tpu.memory_space<hbm>>) target(%arg6 : memref<100000xf32, #tpu.memory_space<vmem>>) target_semaphore(%run_scoped3A : memref<!tpu.dma_semaphore, #tpu.memory_space<semaphore_mem>>)
      %dma_wait3A = arith.constant 0 : i32
      %dma_wait3A_66 = tpu.memref_slice %arg2[%add3A_49, %dma_wait3A] : memref<128x100000xf32, #tpu.memory_space<hbm>> -> memref<1x100000xf32, #tpu.memory_space<hbm>>
      %dma_wait3A_67 = tpu.memref_squeeze %dma_wait3A_66 : memref<1x100000xf32, #tpu.memory_space<hbm>> -> memref<100000xf32, #tpu.memory_space<hbm>>
      %dma_wait3A_68 = arith.constant 0 : i32
      %dma_wait3A_69 = tpu.memref_slice %arg2[%add3A_49, %dma_wait3A_68] : memref<128x100000xf32, #tpu.memory_space<hbm>> -> memref<1x100000xf32, #tpu.memory_space<hbm>>
      %dma_wait3A_70 = tpu.memref_squeeze %dma_wait3A_69 : memref<1x100000xf32, #tpu.memory_space<hbm>> -> memref<100000xf32, #tpu.memory_space<hbm>>
      tpu.wait_dma2 semaphore(%run_scoped3A : memref<!tpu.dma_semaphore, #tpu.memory_space<semaphore_mem>>) src(%dma_wait3A_70 : memref<100000xf32, #tpu.memory_space<hbm>>) dst(%arg6 : memref<100000xf32, #tpu.memory_space<vmem>>)
      tpu.yield
    }) : () -> ()
    "tpu.region"() ({
      %run_scoped3A = tpu.sem_alloc : memref<!tpu.dma_semaphore, #tpu.memory_space<semaphore_mem>>
      %dma_start3A = arith.constant 0 : i32
      %dma_start3A_61 = tpu.memref_slice %arg3[%add3A_49, %dma_start3A] : memref<128x16xi32, #tpu.memory_space<hbm>> -> memref<1x16xi32, #tpu.memory_space<hbm>>
      %dma_start3A_62 = tpu.memref_squeeze %dma_start3A_61 : memref<1x16xi32, #tpu.memory_space<hbm>> -> memref<16xi32, #tpu.memory_space<hbm>>
      %dma_start3A_63 = arith.constant 0 : i32
      %dma_start3A_64 = tpu.memref_slice %arg3[%add3A_49, %dma_start3A_63] : memref<128x16xi32, #tpu.memory_space<hbm>> -> memref<1x16xi32, #tpu.memory_space<hbm>>
      %dma_start3A_65 = tpu.memref_squeeze %dma_start3A_64 : memref<1x16xi32, #tpu.memory_space<hbm>> -> memref<16xi32, #tpu.memory_space<hbm>>
      tpu.enqueue_dma source(%dma_start3A_65 : memref<16xi32, #tpu.memory_space<hbm>>) target(%arg9 : memref<16xi32, #tpu.memory_space<vmem>>) target_semaphore(%run_scoped3A : memref<!tpu.dma_semaphore, #tpu.memory_space<semaphore_mem>>)
      %dma_wait3A = arith.constant 0 : i32
      %dma_wait3A_66 = tpu.memref_slice %arg3[%add3A_49, %dma_wait3A] : memref<128x16xi32, #tpu.memory_space<hbm>> -> memref<1x16xi32, #tpu.memory_space<hbm>>
      %dma_wait3A_67 = tpu.memref_squeeze %dma_wait3A_66 : memref<1x16xi32, #tpu.memory_space<hbm>> -> memref<16xi32, #tpu.memory_space<hbm>>
      %dma_wait3A_68 = arith.constant 0 : i32
      %dma_wait3A_69 = tpu.memref_slice %arg3[%add3A_49, %dma_wait3A_68] : memref<128x16xi32, #tpu.memory_space<hbm>> -> memref<1x16xi32, #tpu.memory_space<hbm>>
      %dma_wait3A_70 = tpu.memref_squeeze %dma_wait3A_69 : memref<1x16xi32, #tpu.memory_space<hbm>> -> memref<16xi32, #tpu.memory_space<hbm>>
      tpu.wait_dma2 semaphore(%run_scoped3A : memref<!tpu.dma_semaphore, #tpu.memory_space<semaphore_mem>>) src(%dma_wait3A_70 : memref<16xi32, #tpu.memory_space<hbm>>) dst(%arg9 : memref<16xi32, #tpu.memory_space<vmem>>)
      tpu.yield
    }) : () -> ()
    %get3A_50 = arith.constant 0 : index
    %get3A_51 = tpu.vector_load %arg9[%get3A_50] {strides = array<i32>} : memref<16xi32, #tpu.memory_space<vmem>>, vector<16xi32>,
    %mul3A_52 = arith.constant 384 : i32
    %mul3A_53 = vector.broadcast %mul3A_52 : i32 to vector<16xi32>
    %mul3A_54 = arith.muli %iota3A, %mul3A_53 : vector<16xi32>
    %add3A_55 = arith.constant 383 : i32
    %add3A_56 = vector.broadcast %add3A_55 : i32 to vector<16xi32>
    %add3A_57 = arith.addi %mul3A_54, %add3A_56 : vector<16xi32>
    %mul3A_58 = arith.constant 384 : i32
    %mul3A_59 = vector.broadcast %mul3A_58 : i32 to vector<16xi32>
    %mul3A_60 = arith.muli %iota3A, %mul3A_59 : vector<16xi32>
    "tpu.region"() ({
      %run_scoped3A = tpu.sem_alloc : memref<!tpu.dma_semaphore, #tpu.memory_space<semaphore_mem>>
      %dma_start3A = arith.constant 0 : i32
      %dma_start3A_61 = tpu.memref_slice %arg4[%add3A_49, %dma_start3A] : memref<128x6144xf32, #tpu.memory_space<hbm>> -> memref<1x6144xf32, #tpu.memory_space<hbm>>
      %dma_start3A_62 = tpu.memref_squeeze %dma_start3A_61 : memref<1x6144xf32, #tpu.memory_space<hbm>> -> memref<6144xf32, #tpu.memory_space<hbm>>
      %dma_start3A_63 = arith.constant 0 : i32
      %dma_start3A_64 = tpu.memref_slice %arg4[%add3A_49, %dma_start3A_63] : memref<128x6144xf32, #tpu.memory_space<hbm>> -> memref<1x6144xf32, #tpu.memory_space<hbm>>
      %dma_start3A_65 = tpu.memref_squeeze %dma_start3A_64 : memref<1x6144xf32, #tpu.memory_space<hbm>> -> memref<6144xf32, #tpu.memory_space<hbm>>
      tpu.enqueue_dma source(%arg7 : memref<6144xf32, #tpu.memory_space<vmem>>) target(%dma_start3A_65 : memref<6144xf32, #tpu.memory_space<hbm>>) target_semaphore(%run_scoped3A : memref<!tpu.dma_semaphore, #tpu.memory_space<semaphore_mem>>)
      %dma_wait3A = arith.constant 0 : i32
      %dma_wait3A_66 = tpu.memref_slice %arg4[%add3A_49, %dma_wait3A] : memref<128x6144xf32, #tpu.memory_space<hbm>> -> memref<1x6144xf32, #tpu.memory_space<hbm>>
      %dma_wait3A_67 = tpu.memref_squeeze %dma_wait3A_66 : memref<1x6144xf32, #tpu.memory_space<hbm>> -> memref<6144xf32, #tpu.memory_space<hbm>>
      %dma_wait3A_68 = arith.constant 0 : i32
      %dma_wait3A_69 = tpu.memref_slice %arg4[%add3A_49, %dma_wait3A_68] : memref<128x6144xf32, #tpu.memory_space<hbm>> -> memref<1x6144xf32, #tpu.memory_space<hbm>>
      %dma_wait3A_70 = tpu.memref_squeeze %dma_wait3A_69 : memref<1x6144xf32, #tpu.memory_space<hbm>> -> memref<6144xf32, #tpu.memory_space<hbm>>
      tpu.wait_dma2 semaphore(%run_scoped3A : memref<!tpu.dma_semaphore, #tpu.memory_space<semaphore_mem>>) src(%arg7 : memref<6144xf32, #tpu.memory_space<vmem>>) dst(%dma_wait3A_70 : memref<6144xf32, #tpu.memory_space<hbm>>)
      tpu.yield
    }) : () -> ()
    "tpu.region"() ({
      %run_scoped3A = tpu.sem_alloc : memref<!tpu.dma_semaphore, #tpu.memory_space<semaphore_mem>>
      %dma_start3A = arith.constant 0 : i32
      %dma_start3A_61 = tpu.memref_slice %arg5[%add3A_49, %dma_start3A] : memref<128x6144xi32, #tpu.memory_space<hbm>> -> memref<1x6144xi32, #tpu.memory_space<hbm>>
      %dma_start3A_62 = tpu.memref_squeeze %dma_start3A_61 : memref<1x6144xi32, #tpu.memory_space<hbm>> -> memref<6144xi32, #tpu.memory_space<hbm>>
      %dma_start3A_63 = arith.constant 0 : i32
      %dma_start3A_64 = tpu.memref_slice %arg5[%add3A_49, %dma_start3A_63] : memref<128x6144xi32, #tpu.memory_space<hbm>> -> memref<1x6144xi32, #tpu.memory_space<hbm>>
      %dma_start3A_65 = tpu.memref_squeeze %dma_start3A_64 : memref<1x6144xi32, #tpu.memory_space<hbm>> -> memref<6144xi32, #tpu.memory_space<hbm>>
      tpu.enqueue_dma source(%arg8 : memref<6144xi32, #tpu.memory_space<vmem>>) target(%dma_start3A_65 : memref<6144xi32, #tpu.memory_space<hbm>>) target_semaphore(%run_scoped3A : memref<!tpu.dma_semaphore, #tpu.memory_space<semaphore_mem>>)
      %dma_wait3A = arith.constant 0 : i32
      %dma_wait3A_66 = tpu.memref_slice %arg5[%add3A_49, %dma_wait3A] : memref<128x6144xi32, #tpu.memory_space<hbm>> -> memref<1x6144xi32, #tpu.memory_space<hbm>>
      %dma_wait3A_67 = tpu.memref_squeeze %dma_wait3A_66 : memref<1x6144xi32, #tpu.memory_space<hbm>> -> memref<6144xi32, #tpu.memory_space<hbm>>
      %dma_wait3A_68 = arith.constant 0 : i32
      %dma_wait3A_69 = tpu.memref_slice %arg5[%add3A_49, %dma_wait3A_68] : memref<128x6144xi32, #tpu.memory_space<hbm>> -> memref<1x6144xi32, #tpu.memory_space<hbm>>
      %dma_wait3A_70 = tpu.memref_squeeze %dma_wait3A_69 : memref<1x6144xi32, #tpu.memory_space<hbm>> -> memref<6144xi32, #tpu.memory_space<hbm>>
      tpu.wait_dma2 semaphore(%run_scoped3A : memref<!tpu.dma_semaphore, #tpu.memory_space<semaphore_mem>>) src(%arg8 : memref<6144xi32, #tpu.memory_space<vmem>>) dst(%dma_wait3A_70 : memref<6144xi32, #tpu.memory_space<hbm>>)
      tpu.yield
    }) : () -> ()
    return
  }
}

module attributes {stable_mosaic.version = 14 : i64} {
  func.func @_narrow_body(%arg0: i32, %arg1: memref<1x8x1xi32, #tpu.memory_space<vmem>>, %arg2: memref<8x100000xf32, #tpu.memory_space<vmem>>, %arg3: memref<8x1xi32, #tpu.memory_space<vmem>>) attributes {dimension_semantics = [#tpu.dimension_semantics<arbitrary>], iteration_bounds = array<i64: 16>, scalar_prefetch = 0 : i64, scratch_operands = 0 : i64, tpu.core_type = #tpu.core_type<tc>, window_params = [{transform_indices = @transform_0, window_bounds = array<i64: 1, 8, 1>}, {transform_indices = @transform_1, window_bounds = array<i64: 8, 100000>}, {transform_indices = @transform_2, window_bounds = array<i64: 8, 1>}]} {
    %get3A = arith.constant 0 : index
    %get3A_0 = arith.constant 0 : index
    %get3A_1 = arith.constant 0 : index
    %get3A_2 = vector.load %arg1[%get3A, %get3A_0, %get3A_1] : memref<1x8x1xi32, #tpu.memory_space<vmem>>, vector<1x8x1xi32>
    %get3A_3 = vector.shape_cast %get3A_2 : vector<1x8x1xi32> to vector<8x1xi32>
    %get3A_4 = arith.constant 0 : index
    %get3A_5 = arith.constant 0 : index
    %get3A_6 = vector.load %arg2[%get3A_4, %get3A_5] : memref<8x100000xf32, #tpu.memory_space<vmem>>, vector<8x100000xf32>
    %bitcast_convert_type3A = tpu.bitcast %get3A_6 : vector<8x100000xf32> -> vector<8x100000xi32>
    %shift_right_arithmetic3A = arith.constant 31 : i32
    %shift_right_arithmetic3A_7 = vector.broadcast %shift_right_arithmetic3A : i32 to vector<8x100000xi32>
    %shift_right_arithmetic3A_8 = arith.shrsi %bitcast_convert_type3A, %shift_right_arithmetic3A_7 : vector<8x100000xi32>
    %and3A = arith.constant 2147483647 : i32
    %and3A_9 = vector.broadcast %and3A : i32 to vector<8x100000xi32>
    %and3A_10 = arith.andi %shift_right_arithmetic3A_8, %and3A_9 : vector<8x100000xi32>
    %xor3A = arith.xori %bitcast_convert_type3A, %and3A_10 : vector<8x100000xi32>
    %broadcast_in_dim3A = arith.constant -2147483648 : i32
    %broadcast_in_dim3A_11 = vector.broadcast %broadcast_in_dim3A : i32 to vector<8x1xi32>
    %broadcast_in_dim3A_12 = arith.constant 2147483647 : i32
    %broadcast_in_dim3A_13 = vector.broadcast %broadcast_in_dim3A_12 : i32 to vector<8x1xi32>
    %broadcast_in_dim3A_14 = arith.constant 100000 : i32
    %broadcast_in_dim3A_15 = vector.broadcast %broadcast_in_dim3A_14 : i32 to vector<8x1xi32>
    %while3A:4 = scf.while (%while3A_18 = %broadcast_in_dim3A_11, %while3A_19 = %broadcast_in_dim3A_13, %while3A_20 = %broadcast_in_dim3A_11, %while3A_21 = %broadcast_in_dim3A_15) : (vector<8x1xi32>, vector<8x1xi32>, vector<8x1xi32>, vector<8x1xi32>) -> (vector<8x1xi32>, vector<8x1xi32>, vector<8x1xi32>, vector<8x1xi32>) {
      %gt3A = arith.constant 3500 : i32
      %gt3A_22 = vector.broadcast %gt3A : i32 to vector<8x1xi32>
      %gt3A_23 = arith.cmpi sgt, %while3A_21, %gt3A_22 : vector<8x1xi32>
      %lt3A = arith.cmpi slt, %while3A_18, %while3A_19 : vector<8x1xi32>
      %and3A_24 = arith.andi %gt3A_23, %lt3A : vector<8x1xi1>
      %reduce_or3A = arith.constant 1.000000e+00 : f32
      %reduce_or3A_25 = arith.constant 0.000000e+00 : f32
      %reduce_or3A_26 = vector.broadcast %reduce_or3A : f32 to vector<8x1xf32>
      %reduce_or3A_27 = vector.broadcast %reduce_or3A_25 : f32 to vector<8x1xf32>
      %reduce_or3A_28 = arith.select %and3A_24, %reduce_or3A_26, %reduce_or3A_27 : vector<8x1xi1>, vector<8x1xf32>
      %reduce_or3A_29 = vector.shape_cast %reduce_or3A_28 : vector<8x1xf32> to vector<1x8x1xf32>
      %reduce_or3A_30 = arith.constant dense<0xFF800000> : vector<1xf32>
      %reduce_or3A_31 = vector.multi_reduction <maximumf>, %reduce_or3A_29, %reduce_or3A_30 [1, 2] : vector<1x8x1xf32> to vector<1xf32>
      %reduce_or3A_32 = vector.shape_cast %reduce_or3A_31 : vector<1xf32> to vector<1x1x1xf32>
      %reduce_or3A_33 = vector.extract %reduce_or3A_32[0, 0, 0] : f32 from vector<1x1x1xf32>
      %reduce_or3A_34 = arith.constant 0.000000e+00 : f32
      %reduce_or3A_35 = arith.cmpf ogt, %reduce_or3A_33, %reduce_or3A_34 : f32
      scf.condition(%reduce_or3A_35) %while3A_18, %while3A_19, %while3A_20, %while3A_21 : vector<8x1xi32>, vector<8x1xi32>, vector<8x1xi32>, vector<8x1xi32>
    } do {
    ^bb0(%while3A_18: vector<8x1xi32>, %while3A_19: vector<8x1xi32>, %while3A_20: vector<8x1xi32>, %while3A_21: vector<8x1xi32>):
      %and3A_22 = arith.andi %while3A_18, %while3A_19 : vector<8x1xi32>
      %xor3A_23 = arith.xori %while3A_18, %while3A_19 : vector<8x1xi32>
      %shift_right_arithmetic3A_24 = arith.constant 1 : i32
      %shift_right_arithmetic3A_25 = vector.broadcast %shift_right_arithmetic3A_24 : i32 to vector<8x1xi32>
      %shift_right_arithmetic3A_26 = arith.shrsi %xor3A_23, %shift_right_arithmetic3A_25 : vector<8x1xi32>
      %add3A = arith.addi %and3A_22, %shift_right_arithmetic3A_26 : vector<8x1xi32>
      %gt3A = vector.broadcast %add3A : vector<8x1xi32> to vector<8x100000xi32>
      %gt3A_27 = arith.cmpi sgt, %xor3A, %gt3A : vector<8x100000xi32>
      %convert_element_type3A = arith.extui %gt3A_27 : vector<8x100000xi1> to vector<8x100000xi32>
      %reduce_sum3A = arith.constant dense<0> : vector<8xi32>
      %reduce_sum3A_28 = vector.multi_reduction <add>, %convert_element_type3A, %reduce_sum3A [1] : vector<8x100000xi32> to vector<8xi32>
      %broadcast_in_dim3A_29 = vector.shape_cast %reduce_sum3A_28 : vector<8xi32> to vector<8x1xi32>
      %gt3A_30 = arith.constant 3500 : i32
      %gt3A_31 = vector.broadcast %gt3A_30 : i32 to vector<8x1xi32>
      %gt3A_32 = arith.cmpi sgt, %while3A_21, %gt3A_31 : vector<8x1xi32>
      %lt3A = arith.cmpi slt, %while3A_18, %while3A_19 : vector<8x1xi32>
      %and3A_33 = arith.andi %gt3A_32, %lt3A : vector<8x1xi1>
      %lt3A_34 = arith.cmpi slt, %broadcast_in_dim3A_29, %get3A_3 : vector<8x1xi32>
      %not3A = arith.constant dense<true> : vector<8x1xi1>
      %not3A_35 = arith.xori %lt3A_34, %not3A : vector<8x1xi1>
      %and3A_36 = arith.andi %and3A_33, %not3A_35 : vector<8x1xi1>
      %add3A_37 = arith.constant 1 : i32
      %add3A_38 = vector.broadcast %add3A_37 : i32 to vector<8x1xi32>
      %add3A_39 = arith.addi %add3A, %add3A_38 : vector<8x1xi32>
      %select_n3A = arith.select %and3A_36, %add3A_39, %while3A_18 : vector<8x1xi1>, vector<8x1xi32>
      %and3A_40 = arith.andi %and3A_33, %lt3A_34 : vector<8x1xi1>
      %select_n3A_41 = arith.select %and3A_40, %add3A, %while3A_19 : vector<8x1xi1>, vector<8x1xi32>
      %select_n3A_42 = arith.select %and3A_36, %add3A, %while3A_20 : vector<8x1xi1>, vector<8x1xi32>
      %select_n3A_43 = arith.select %and3A_36, %broadcast_in_dim3A_29, %while3A_21 : vector<8x1xi1>, vector<8x1xi32>
      scf.yield %select_n3A, %select_n3A_41, %select_n3A_42, %select_n3A_43 : vector<8x1xi32>, vector<8x1xi32>, vector<8x1xi32>, vector<8x1xi32>
    }
    %swap3A = arith.constant 0 : index
    %swap3A_16 = arith.constant 0 : index
    %swap3A_17 = vector.load %arg3[%swap3A, %swap3A_16] : memref<8x1xi32, #tpu.memory_space<vmem>>, vector<8x1xi32>
    tpu.vector_store %arg3[%swap3A, %swap3A_16], %while3A#2 {strides = array<i32>} : memref<8x1xi32, #tpu.memory_space<vmem>>, vector<8x1xi32>,
    return
  }
  func.func @transform_0(%arg0: i32) -> (i32, i32, i32) {
    %c0_i32 = arith.constant 0 : i32
    %c0_i32_0 = arith.constant 0 : i32
    %c0_i32_1 = arith.constant 0 : i32
    return %arg0, %c0_i32, %c0_i32_0 : i32, i32, i32
  }
  func.func @transform_1(%arg0: i32) -> (i32, i32) {
    %c0_i32 = arith.constant 0 : i32
    %c0_i32_0 = arith.constant 0 : i32
    return %arg0, %c0_i32 : i32, i32
  }
  func.func @transform_2(%arg0: i32) -> (i32, i32) {
    %c0_i32 = arith.constant 0 : i32
    %c0_i32_0 = arith.constant 0 : i32
    return %arg0, %c0_i32 : i32, i32
  }
}

module attributes {stable_mosaic.version = 14 : i64} {
  func.func @_compact_body(%arg0: i32, %arg1: memref<1x128x1xi32, #tpu.memory_space<vmem>>, %arg2: memref<1x128x1xf32, #tpu.memory_space<vmem>>, %arg3: memref<128x6144xf32, #tpu.memory_space<vmem>>, %arg4: memref<128x6144xi32, #tpu.memory_space<vmem>>, %arg5: memref<128x1xi32, #tpu.memory_space<vmem>>, %arg6: memref<128x1xi32, #tpu.memory_space<vmem>>) attributes {dimension_semantics = [#tpu.dimension_semantics<arbitrary>], iteration_bounds = array<i64: 1>, scalar_prefetch = 0 : i64, scratch_operands = 0 : i64, tpu.core_type = #tpu.core_type<tc>, window_params = [{pipeline_mode = #tpu.pipeline_mode<synchronous>, transform_indices = @transform_0, window_bounds = array<i64: 1, 128, 1>}, {pipeline_mode = #tpu.pipeline_mode<synchronous>, transform_indices = @transform_1, window_bounds = array<i64: 1, 128, 1>}, {pipeline_mode = #tpu.pipeline_mode<synchronous>, transform_indices = @transform_2, window_bounds = array<i64: 128, 6144>}, {pipeline_mode = #tpu.pipeline_mode<synchronous>, transform_indices = @transform_3, window_bounds = array<i64: 128, 6144>}, {pipeline_mode = #tpu.pipeline_mode<synchronous>, transform_indices = @transform_4, window_bounds = array<i64: 128, 1>}, {pipeline_mode = #tpu.pipeline_mode<synchronous>, transform_indices = @transform_5, window_bounds = array<i64: 128, 1>}]} {
    %get3A = arith.constant 0 : index
    %get3A_0 = arith.constant 0 : index
    %get3A_1 = arith.constant 0 : index
    %get3A_2 = vector.load %arg1[%get3A, %get3A_0, %get3A_1] : memref<1x128x1xi32, #tpu.memory_space<vmem>>, vector<1x128x1xi32>
    %get3A_3 = vector.shape_cast %get3A_2 : vector<1x128x1xi32> to vector<128x1xi32>
    %get3A_4 = arith.constant 0 : index
    %get3A_5 = arith.constant 0 : index
    %get3A_6 = arith.constant 0 : index
    %get3A_7 = vector.load %arg2[%get3A_4, %get3A_5, %get3A_6] : memref<1x128x1xf32, #tpu.memory_space<vmem>>, vector<1x128x1xf32>
    %get3A_8 = vector.shape_cast %get3A_7 : vector<1x128x1xf32> to vector<128x1xf32>
    %get3A_9 = arith.constant 0 : index
    %get3A_10 = arith.constant 0 : index
    %get3A_11 = vector.load %arg3[%get3A_9, %get3A_10] : memref<128x6144xf32, #tpu.memory_space<vmem>>, vector<128x6144xf32>
    %get3A_12 = arith.constant 0 : index
    %get3A_13 = arith.constant 0 : index
    %get3A_14 = vector.load %arg4[%get3A_12, %get3A_13] : memref<128x6144xi32, #tpu.memory_space<vmem>>, vector<128x6144xi32>
    %broadcast_in_dim3A = arith.constant -2147483648 : i32
    %broadcast_in_dim3A_15 = vector.broadcast %broadcast_in_dim3A : i32 to vector<128x1xi32>
    %broadcast_in_dim3A_16 = arith.constant 2147483647 : i32
    %broadcast_in_dim3A_17 = vector.broadcast %broadcast_in_dim3A_16 : i32 to vector<128x1xi32>
    %bitcast_convert_type3A = tpu.bitcast %get3A_11 : vector<128x6144xf32> -> vector<128x6144xi32>
    %shift_right_arithmetic3A = arith.constant 31 : i32
    %shift_right_arithmetic3A_18 = vector.broadcast %shift_right_arithmetic3A : i32 to vector<128x6144xi32>
    %shift_right_arithmetic3A_19 = arith.shrsi %bitcast_convert_type3A, %shift_right_arithmetic3A_18 : vector<128x6144xi32>
    %and3A = arith.constant 2147483647 : i32
    %and3A_20 = vector.broadcast %and3A : i32 to vector<128x6144xi32>
    %and3A_21 = arith.andi %shift_right_arithmetic3A_19, %and3A_20 : vector<128x6144xi32>
    %xor3A = arith.xori %bitcast_convert_type3A, %and3A_21 : vector<128x6144xi32>
    %scan3A = arith.constant 0 : i32
    %scan3A_22 = arith.constant 32 : i32
    %scan3A_23 = arith.addi %scan3A, %scan3A_22 : i32
    %scan3A_24 = arith.constant 1 : i32
    %scan3A_25:2 = scf.for %scan3A_77 = %scan3A to %scan3A_23 step %scan3A_24 iter_args(%scan3A_78 = %broadcast_in_dim3A_15, %scan3A_79 = %broadcast_in_dim3A_17) -> (vector<128x1xi32>, vector<128x1xi32>)  : i32 {
      %and3A_80 = arith.andi %scan3A_78, %scan3A_79 : vector<128x1xi32>
      %xor3A_81 = arith.xori %scan3A_78, %scan3A_79 : vector<128x1xi32>
      %shift_right_arithmetic3A_82 = arith.constant 1 : i32
      %shift_right_arithmetic3A_83 = vector.broadcast %shift_right_arithmetic3A_82 : i32 to vector<128x1xi32>
      %shift_right_arithmetic3A_84 = arith.shrsi %xor3A_81, %shift_right_arithmetic3A_83 : vector<128x1xi32>
      %add3A = arith.addi %and3A_80, %shift_right_arithmetic3A_84 : vector<128x1xi32>
      %gt3A_85 = vector.broadcast %add3A : vector<128x1xi32> to vector<128x6144xi32>
      %gt3A_86 = arith.cmpi sgt, %xor3A, %gt3A_85 : vector<128x6144xi32>
      %convert_element_type3A_87 = arith.extui %gt3A_86 : vector<128x6144xi1> to vector<128x6144xi32>
      %reduce_sum3A_88 = arith.constant dense<0> : vector<128xi32>
      %reduce_sum3A_89 = vector.multi_reduction <add>, %convert_element_type3A_87, %reduce_sum3A_88 [1] : vector<128x6144xi32> to vector<128xi32>
      %broadcast_in_dim3A_90 = vector.shape_cast %reduce_sum3A_89 : vector<128xi32> to vector<128x1xi32>
      %lt3A = arith.cmpi slt, %broadcast_in_dim3A_90, %get3A_3 : vector<128x1xi32>
      %add3A_91 = arith.constant 1 : i32
      %add3A_92 = vector.broadcast %add3A_91 : i32 to vector<128x1xi32>
      %add3A_93 = arith.addi %add3A, %add3A_92 : vector<128x1xi32>
      %select_n3A_94 = arith.select %lt3A, %scan3A_78, %add3A_93 : vector<128x1xi1>, vector<128x1xi32>
      %select_n3A_95 = arith.select %lt3A, %add3A, %scan3A_79 : vector<128x1xi1>, vector<128x1xi32>
      scf.yield %select_n3A_94, %select_n3A_95 : vector<128x1xi32>, vector<128x1xi32>
    }
    %reduce_max3A = arith.constant dense<0xFF800000> : vector<128xf32>
    %reduce_max3A_26 = vector.multi_reduction <maximumf>, %get3A_11, %reduce_max3A [1] : vector<128x6144xf32> to vector<128xf32>
    %broadcast_in_dim3A_27 = vector.shape_cast %reduce_max3A_26 : vector<128xf32> to vector<128x1xf32>
    %ge3A = vector.broadcast %scan3A_25#0 : vector<128x1xi32> to vector<128x6144xi32>
    %ge3A_28 = arith.cmpi sge, %xor3A, %ge3A : vector<128x6144xi32>
    %sub3A = vector.broadcast %broadcast_in_dim3A_27 : vector<128x1xf32> to vector<128x6144xf32>
    %sub3A_29 = arith.subf %get3A_11, %sub3A : vector<128x6144xf32>
    %exp3A = math.exp %sub3A_29 : vector<128x6144xf32>
    %jit3A = arith.constant 0.000000e+00 : f32
    %broadcast_in_dim3A_30 = vector.broadcast %jit3A : f32 to vector<128x6144xf32>
    %select_n3A = arith.select %ge3A_28, %exp3A, %broadcast_in_dim3A_30 : vector<128x6144xi1>, vector<128x6144xf32>
    %reduce_sum3A = arith.constant dense<0.000000e+00> : vector<128xf32>
    %reduce_sum3A_31 = vector.multi_reduction <add>, %select_n3A, %reduce_sum3A [1] : vector<128x6144xf32> to vector<128xf32>
    %broadcast_in_dim3A_32 = vector.shape_cast %reduce_sum3A_31 : vector<128xf32> to vector<128x1xf32>
    %mul3A = arith.mulf %get3A_8, %broadcast_in_dim3A_32 : vector<128x1xf32>
    %reduce_max3A_33 = arith.constant dense<-2147483648> : vector<128xi32>
    %reduce_max3A_34 = vector.multi_reduction <maxsi>, %xor3A, %reduce_max3A_33 [1] : vector<128x6144xi32> to vector<128xi32>
    %broadcast_in_dim3A_35 = vector.shape_cast %reduce_max3A_34 : vector<128xi32> to vector<128x1xi32>
    %while3A:2 = scf.while (%while3A_77 = %scan3A_25#0, %while3A_78 = %broadcast_in_dim3A_35) : (vector<128x1xi32>, vector<128x1xi32>) -> (vector<128x1xi32>, vector<128x1xi32>) {
      %lt3A = arith.cmpi slt, %while3A_77, %while3A_78 : vector<128x1xi32>
      %reduce_or3A_79 = arith.constant 1.000000e+00 : f32
      %reduce_or3A_80 = arith.constant 0.000000e+00 : f32
      %reduce_or3A_81 = vector.broadcast %reduce_or3A_79 : f32 to vector<128x1xf32>
      %reduce_or3A_82 = vector.broadcast %reduce_or3A_80 : f32 to vector<128x1xf32>
      %reduce_or3A_83 = arith.select %lt3A, %reduce_or3A_81, %reduce_or3A_82 : vector<128x1xi1>, vector<128x1xf32>
      %reduce_or3A_84 = vector.shape_cast %reduce_or3A_83 : vector<128x1xf32> to vector<1x128x1xf32>
      %reduce_or3A_85 = arith.constant dense<0xFF800000> : vector<1xf32>
      %reduce_or3A_86 = vector.multi_reduction <maximumf>, %reduce_or3A_84, %reduce_or3A_85 [1, 2] : vector<1x128x1xf32> to vector<1xf32>
      %reduce_or3A_87 = vector.shape_cast %reduce_or3A_86 : vector<1xf32> to vector<1x1x1xf32>
      %reduce_or3A_88 = vector.extract %reduce_or3A_87[0, 0, 0] : f32 from vector<1x1x1xf32>
      %reduce_or3A_89 = arith.constant 0.000000e+00 : f32
      %reduce_or3A_90 = arith.cmpf ogt, %reduce_or3A_88, %reduce_or3A_89 : f32
      scf.condition(%reduce_or3A_90) %while3A_77, %while3A_78 : vector<128x1xi32>, vector<128x1xi32>
    } do {
    ^bb0(%while3A_77: vector<128x1xi32>, %while3A_78: vector<128x1xi32>):
      %and3A_79 = arith.andi %while3A_77, %while3A_78 : vector<128x1xi32>
      %xor3A_80 = arith.xori %while3A_77, %while3A_78 : vector<128x1xi32>
      %shift_right_arithmetic3A_81 = arith.constant 1 : i32
      %shift_right_arithmetic3A_82 = vector.broadcast %shift_right_arithmetic3A_81 : i32 to vector<128x1xi32>
      %shift_right_arithmetic3A_83 = arith.shrsi %xor3A_80, %shift_right_arithmetic3A_82 : vector<128x1xi32>
      %add3A = arith.addi %and3A_79, %shift_right_arithmetic3A_83 : vector<128x1xi32>
      %gt3A_84 = vector.broadcast %add3A : vector<128x1xi32> to vector<128x6144xi32>
      %gt3A_85 = arith.cmpi sgt, %xor3A, %gt3A_84 : vector<128x6144xi32>
      %jit3A_86 = arith.constant 0.000000e+00 : f32
      %broadcast_in_dim3A_87 = vector.broadcast %jit3A_86 : f32 to vector<128x6144xf32>
      %select_n3A_88 = arith.select %gt3A_85, %select_n3A, %broadcast_in_dim3A_87 : vector<128x6144xi1>, vector<128x6144xf32>
      %reduce_sum3A_89 = arith.constant dense<0.000000e+00> : vector<128xf32>
      %reduce_sum3A_90 = vector.multi_reduction <add>, %select_n3A_88, %reduce_sum3A_89 [1] : vector<128x6144xf32> to vector<128xf32>
      %broadcast_in_dim3A_91 = vector.shape_cast %reduce_sum3A_90 : vector<128xf32> to vector<128x1xf32>
      %lt3A = arith.cmpf olt, %broadcast_in_dim3A_91, %mul3A : vector<128x1xf32>
      %add3A_92 = arith.constant 1 : i32
      %add3A_93 = vector.broadcast %add3A_92 : i32 to vector<128x1xi32>
      %add3A_94 = arith.addi %add3A, %add3A_93 : vector<128x1xi32>
      %select_n3A_95 = arith.select %lt3A, %while3A_77, %add3A_94 : vector<128x1xi1>, vector<128x1xi32>
      %select_n3A_96 = arith.select %lt3A, %add3A, %while3A_78 : vector<128x1xi1>, vector<128x1xi32>
      scf.yield %select_n3A_95, %select_n3A_96 : vector<128x1xi32>, vector<128x1xi32>
    }
    %gt3A = vector.broadcast %while3A#0 : vector<128x1xi32> to vector<128x6144xi32>
    %gt3A_36 = arith.cmpi sgt, %xor3A, %gt3A : vector<128x6144xi32>
    %jit3A_37 = arith.constant 0.000000e+00 : f32
    %broadcast_in_dim3A_38 = vector.broadcast %jit3A_37 : f32 to vector<128x6144xf32>
    %select_n3A_39 = arith.select %gt3A_36, %select_n3A, %broadcast_in_dim3A_38 : vector<128x6144xi1>, vector<128x6144xf32>
    %reduce_sum3A_40 = arith.constant dense<0.000000e+00> : vector<128xf32>
    %reduce_sum3A_41 = vector.multi_reduction <add>, %select_n3A_39, %reduce_sum3A_40 [1] : vector<128x6144xf32> to vector<128xf32>
    %broadcast_in_dim3A_42 = vector.shape_cast %reduce_sum3A_41 : vector<128xf32> to vector<128x1xf32>
    %eq3A = vector.broadcast %while3A#0 : vector<128x1xi32> to vector<128x6144xi32>
    %eq3A_43 = arith.cmpi eq, %xor3A, %eq3A : vector<128x6144xi32>
    %jit3A_44 = arith.constant 0.000000e+00 : f32
    %broadcast_in_dim3A_45 = vector.broadcast %jit3A_44 : f32 to vector<128x6144xf32>
    %select_n3A_46 = arith.select %eq3A_43, %select_n3A, %broadcast_in_dim3A_45 : vector<128x6144xi1>, vector<128x6144xf32>
    %reduce_max3A_47 = arith.constant dense<0xFF800000> : vector<128xf32>
    %reduce_max3A_48 = vector.multi_reduction <maximumf>, %select_n3A_46, %reduce_max3A_47 [1] : vector<128x6144xf32> to vector<128xf32>
    %broadcast_in_dim3A_49 = vector.shape_cast %reduce_max3A_48 : vector<128xf32> to vector<128x1xf32>
    %eq3A_50 = vector.broadcast %while3A#0 : vector<128x1xi32> to vector<128x6144xi32>
    %eq3A_51 = arith.cmpi eq, %xor3A, %eq3A_50 : vector<128x6144xi32>
    %convert_element_type3A = arith.extui %eq3A_51 : vector<128x6144xi1> to vector<128x6144xi32>
    %reduce_sum3A_52 = arith.constant dense<0> : vector<128xi32>
    %reduce_sum3A_53 = vector.multi_reduction <add>, %convert_element_type3A, %reduce_sum3A_52 [1] : vector<128x6144xi32> to vector<128xi32>
    %broadcast_in_dim3A_54 = vector.shape_cast %reduce_sum3A_53 : vector<128xi32> to vector<128x1xi32>
    %gt3A_55 = arith.constant 1 : i32
    %gt3A_56 = vector.broadcast %gt3A_55 : i32 to vector<128x1xi32>
    %gt3A_57 = arith.cmpi sgt, %broadcast_in_dim3A_54, %gt3A_56 : vector<128x1xi32>
    %reduce_or3A = arith.constant 1.000000e+00 : f32
    %reduce_or3A_58 = arith.constant 0.000000e+00 : f32
    %reduce_or3A_59 = vector.broadcast %reduce_or3A : f32 to vector<128x1xf32>
    %reduce_or3A_60 = vector.broadcast %reduce_or3A_58 : f32 to vector<128x1xf32>
    %reduce_or3A_61 = arith.select %gt3A_57, %reduce_or3A_59, %reduce_or3A_60 : vector<128x1xi1>, vector<128x1xf32>
    %reduce_or3A_62 = vector.shape_cast %reduce_or3A_61 : vector<128x1xf32> to vector<1x128x1xf32>
    %reduce_or3A_63 = arith.constant dense<0xFF800000> : vector<1xf32>
    %reduce_or3A_64 = vector.multi_reduction <maximumf>, %reduce_or3A_62, %reduce_or3A_63 [1, 2] : vector<1x128x1xf32> to vector<1xf32>
    %reduce_or3A_65 = vector.shape_cast %reduce_or3A_64 : vector<1xf32> to vector<1x1x1xf32>
    %reduce_or3A_66 = vector.extract %reduce_or3A_65[0, 0, 0] : f32 from vector<1x1x1xf32>
    %reduce_or3A_67 = arith.constant 0.000000e+00 : f32
    %reduce_or3A_68 = arith.cmpf ogt, %reduce_or3A_66, %reduce_or3A_67 : f32
    %convert_element_type3A_69 = arith.extui %reduce_or3A_68 : i1 to i32
    %cond3A = arith.constant 0 : i32
    %cond3A_70 = arith.cmpi ne, %convert_element_type3A_69, %cond3A : i32
    %cond3A_71 = scf.if %cond3A_70 -> (vector<128x1xi32>) {
      %broadcast_in_dim3A_77 = arith.constant 0 : i32
      %broadcast_in_dim3A_78 = vector.broadcast %broadcast_in_dim3A_77 : i32 to vector<128x1xi32>
      %broadcast_in_dim3A_79 = arith.constant 131071 : i32
      %broadcast_in_dim3A_80 = vector.broadcast %broadcast_in_dim3A_79 : i32 to vector<128x1xi32>
      %scan3A_81 = arith.constant 0 : i32
      %scan3A_82 = arith.constant 17 : i32
      %scan3A_83 = arith.addi %scan3A_81, %scan3A_82 : i32
      %scan3A_84 = arith.constant 1 : i32
      %scan3A_85:2 = scf.for %scan3A_86 = %scan3A_81 to %scan3A_83 step %scan3A_84 iter_args(%scan3A_87 = %broadcast_in_dim3A_78, %scan3A_88 = %broadcast_in_dim3A_80) -> (vector<128x1xi32>, vector<128x1xi32>)  : i32 {
        %add3A = arith.addi %scan3A_87, %scan3A_88 : vector<128x1xi32>
        %jit3A_89 = arith.constant 2 : i32
        %div3A = vector.broadcast %jit3A_89 : i32 to vector<128x1xi32>
        %div3A_90 = arith.divsi %add3A, %div3A : vector<128x1xi32>
        %sign3A = arith.constant 0 : i32
        %sign3A_91 = vector.broadcast %sign3A : i32 to vector<128x1xi32>
        %sign3A_92 = arith.cmpi sgt, %add3A, %sign3A_91 : vector<128x1xi32>
        %sign3A_93 = arith.extui %sign3A_92 : vector<128x1xi1> to vector<128x1xi32>
        %sign3A_94 = arith.constant 0 : i32
        %sign3A_95 = vector.broadcast %sign3A_94 : i32 to vector<128x1xi32>
        %sign3A_96 = arith.cmpi slt, %add3A, %sign3A_95 : vector<128x1xi32>
        %sign3A_97 = arith.extui %sign3A_96 : vector<128x1xi1> to vector<128x1xi32>
        %sign3A_98 = arith.subi %sign3A_93, %sign3A_97 : vector<128x1xi32>
        %sign3A_99 = arith.constant 0 : i32
        %sign3A_100 = arith.cmpi sgt, %jit3A_89, %sign3A_99 : i32
        %sign3A_101 = arith.extui %sign3A_100 : i1 to i32
        %sign3A_102 = arith.constant 0 : i32
        %sign3A_103 = arith.cmpi slt, %jit3A_89, %sign3A_102 : i32
        %sign3A_104 = arith.extui %sign3A_103 : i1 to i32
        %sign3A_105 = arith.subi %sign3A_101, %sign3A_104 : i32
        %ne3A = vector.broadcast %sign3A_105 : i32 to vector<128x1xi32>
        %ne3A_106 = arith.cmpi ne, %sign3A_98, %ne3A : vector<128x1xi32>
        %rem3A = vector.broadcast %jit3A_89 : i32 to vector<128x1xi32>
        %rem3A_107 = arith.remsi %add3A, %rem3A : vector<128x1xi32>
        %ne3A_108 = arith.constant 0 : i32
        %ne3A_109 = vector.broadcast %ne3A_108 : i32 to vector<128x1xi32>
        %ne3A_110 = arith.cmpi ne, %rem3A_107, %ne3A_109 : vector<128x1xi32>
        %and3A_111 = arith.andi %ne3A_106, %ne3A_110 : vector<128x1xi1>
        %sub3A_112 = arith.constant 1 : i32
        %sub3A_113 = vector.broadcast %sub3A_112 : i32 to vector<128x1xi32>
        %sub3A_114 = arith.subi %div3A_90, %sub3A_113 : vector<128x1xi32>
        %select_n3A_115 = arith.select %and3A_111, %sub3A_114, %div3A_90 : vector<128x1xi1>, vector<128x1xi32>
        %eq3A_116 = vector.broadcast %while3A#0 : vector<128x1xi32> to vector<128x6144xi32>
        %eq3A_117 = arith.cmpi eq, %xor3A, %eq3A_116 : vector<128x6144xi32>
        %gt3A_118 = vector.broadcast %select_n3A_115 : vector<128x1xi32> to vector<128x6144xi32>
        %gt3A_119 = arith.cmpi sgt, %get3A_14, %gt3A_118 : vector<128x6144xi32>
        %and3A_120 = arith.andi %eq3A_117, %gt3A_119 : vector<128x6144xi1>
        %jit3A_121 = arith.constant 1.000000e+00 : f32
        %jit3A_122 = arith.constant 0.000000e+00 : f32
        %broadcast_in_dim3A_123 = vector.broadcast %jit3A_121 : f32 to vector<128x6144xf32>
        %broadcast_in_dim3A_124 = vector.broadcast %jit3A_122 : f32 to vector<128x6144xf32>
        %select_n3A_125 = arith.select %and3A_120, %broadcast_in_dim3A_123, %broadcast_in_dim3A_124 : vector<128x6144xi1>, vector<128x6144xf32>
        %reduce_sum3A_126 = arith.constant dense<0.000000e+00> : vector<128xf32>
        %reduce_sum3A_127 = vector.multi_reduction <add>, %select_n3A_125, %reduce_sum3A_126 [1] : vector<128x6144xf32> to vector<128xf32>
        %broadcast_in_dim3A_128 = vector.shape_cast %reduce_sum3A_127 : vector<128xf32> to vector<128x1xf32>
        %mul3A_129 = arith.mulf %broadcast_in_dim3A_128, %broadcast_in_dim3A_49 : vector<128x1xf32>
        %add3A_130 = arith.addf %broadcast_in_dim3A_42, %mul3A_129 : vector<128x1xf32>
        %lt3A = arith.cmpf olt, %add3A_130, %mul3A : vector<128x1xf32>
        %add3A_131 = arith.constant 1 : i32
        %add3A_132 = vector.broadcast %add3A_131 : i32 to vector<128x1xi32>
        %add3A_133 = arith.addi %select_n3A_115, %add3A_132 : vector<128x1xi32>
        %select_n3A_134 = arith.select %lt3A, %scan3A_87, %add3A_133 : vector<128x1xi1>, vector<128x1xi32>
        %select_n3A_135 = arith.select %lt3A, %select_n3A_115, %scan3A_88 : vector<128x1xi1>, vector<128x1xi32>
        scf.yield %select_n3A_134, %select_n3A_135 : vector<128x1xi32>, vector<128x1xi32>
      }
      scf.yield %scan3A_85#0 : vector<128x1xi32>
    } else {
      %broadcast_in_dim3A_77 = arith.constant 0 : i32
      %broadcast_in_dim3A_78 = vector.broadcast %broadcast_in_dim3A_77 : i32 to vector<128x1xi32>
      scf.yield %broadcast_in_dim3A_78 : vector<128x1xi32>
    }
    %swap3A = arith.constant 0 : index
    %swap3A_72 = arith.constant 0 : index
    %swap3A_73 = vector.load %arg5[%swap3A, %swap3A_72] : memref<128x1xi32, #tpu.memory_space<vmem>>, vector<128x1xi32>
    tpu.vector_store %arg5[%swap3A, %swap3A_72], %while3A#0 {strides = array<i32>} : memref<128x1xi32, #tpu.memory_space<vmem>>, vector<128x1xi32>,
    %swap3A_74 = arith.constant 0 : index
    %swap3A_75 = arith.constant 0 : index
    %swap3A_76 = vector.load %arg6[%swap3A_74, %swap3A_75] : memref<128x1xi32, #tpu.memory_space<vmem>>, vector<128x1xi32>
    tpu.vector_store %arg6[%swap3A_74, %swap3A_75], %cond3A_71 {strides = array<i32>} : memref<128x1xi32, #tpu.memory_space<vmem>>, vector<128x1xi32>,
    return
  }
  func.func @transform_0(%arg0: i32) -> (i32, i32, i32) {
    %c0_i32 = arith.constant 0 : i32
    %c0_i32_0 = arith.constant 0 : i32
    %c0_i32_1 = arith.constant 0 : i32
    %c0_i32_2 = arith.constant 0 : i32
    return %c0_i32, %c0_i32_0, %c0_i32_1 : i32, i32, i32
  }
  func.func @transform_1(%arg0: i32) -> (i32, i32, i32) {
    %c0_i32 = arith.constant 0 : i32
    %c0_i32_0 = arith.constant 0 : i32
    %c0_i32_1 = arith.constant 0 : i32
    %c0_i32_2 = arith.constant 0 : i32
    return %c0_i32, %c0_i32_0, %c0_i32_1 : i32, i32, i32
  }
  func.func @transform_2(%arg0: i32) -> (i32, i32) {
    %c0_i32 = arith.constant 0 : i32
    %c0_i32_0 = arith.constant 0 : i32
    %c0_i32_1 = arith.constant 0 : i32
    return %c0_i32, %c0_i32_0 : i32, i32
  }
  func.func @transform_3(%arg0: i32) -> (i32, i32) {
    %c0_i32 = arith.constant 0 : i32
    %c0_i32_0 = arith.constant 0 : i32
    %c0_i32_1 = arith.constant 0 : i32
    return %c0_i32, %c0_i32_0 : i32, i32
  }
  func.func @transform_4(%arg0: i32) -> (i32, i32) {
    %c0_i32 = arith.constant 0 : i32
    %c0_i32_0 = arith.constant 0 : i32
    %c0_i32_1 = arith.constant 0 : i32
    return %c0_i32, %c0_i32_0 : i32, i32
  }
  func.func @transform_5(%arg0: i32) -> (i32, i32) {
    %c0_i32 = arith.constant 0 : i32
    %c0_i32_0 = arith.constant 0 : i32
    %c0_i32_1 = arith.constant 0 : i32
    return %c0_i32, %c0_i32_0 : i32, i32
  }
}

module attributes {stable_mosaic.version = 14 : i64} {
  func.func @_mask_body(%arg0: i32, %arg1: memref<8x1xi32, #tpu.memory_space<vmem>>, %arg2: memref<8x1xi32, #tpu.memory_space<vmem>>, %arg3: memref<8x100000xf32, #tpu.memory_space<vmem>>, %arg4: memref<8x100000xf32, #tpu.memory_space<vmem>>) attributes {dimension_semantics = [#tpu.dimension_semantics<arbitrary>], iteration_bounds = array<i64: 16>, scalar_prefetch = 0 : i64, scratch_operands = 0 : i64, tpu.core_type = #tpu.core_type<tc>, window_params = [{transform_indices = @transform_0, window_bounds = array<i64: 8, 1>}, {transform_indices = @transform_1, window_bounds = array<i64: 8, 1>}, {transform_indices = @transform_2, window_bounds = array<i64: 8, 100000>}, {transform_indices = @transform_3, window_bounds = array<i64: 8, 100000>}]} {
    %get3A = arith.constant 0 : index
    %get3A_0 = arith.constant 0 : index
    %get3A_1 = vector.load %arg1[%get3A, %get3A_0] : memref<8x1xi32, #tpu.memory_space<vmem>>, vector<8x1xi32>
    %get3A_2 = arith.constant 0 : index
    %get3A_3 = arith.constant 0 : index
    %get3A_4 = vector.load %arg2[%get3A_2, %get3A_3] : memref<8x1xi32, #tpu.memory_space<vmem>>, vector<8x1xi32>
    %get3A_5 = arith.constant 0 : index
    %get3A_6 = arith.constant 0 : index
    %get3A_7 = vector.load %arg3[%get3A_5, %get3A_6] : memref<8x100000xf32, #tpu.memory_space<vmem>>, vector<8x100000xf32>
    %bitcast_convert_type3A = tpu.bitcast %get3A_7 : vector<8x100000xf32> -> vector<8x100000xi32>
    %shift_right_arithmetic3A = arith.constant 31 : i32
    %shift_right_arithmetic3A_8 = vector.broadcast %shift_right_arithmetic3A : i32 to vector<8x100000xi32>
    %shift_right_arithmetic3A_9 = arith.shrsi %bitcast_convert_type3A, %shift_right_arithmetic3A_8 : vector<8x100000xi32>
    %and3A = arith.constant 2147483647 : i32
    %and3A_10 = vector.broadcast %and3A : i32 to vector<8x100000xi32>
    %and3A_11 = arith.andi %shift_right_arithmetic3A_9, %and3A_10 : vector<8x100000xi32>
    %xor3A = arith.xori %bitcast_convert_type3A, %and3A_11 : vector<8x100000xi32>
    %iota3A = tpu.iota {dimensions = array<i32: 1>} : vector<8x100000xi32>
    %gt3A = vector.broadcast %get3A_1 : vector<8x1xi32> to vector<8x100000xi32>
    %gt3A_12 = arith.cmpi sgt, %xor3A, %gt3A : vector<8x100000xi32>
    %eq3A = vector.broadcast %get3A_1 : vector<8x1xi32> to vector<8x100000xi32>
    %eq3A_13 = arith.cmpi eq, %xor3A, %eq3A : vector<8x100000xi32>
    %ge3A = vector.broadcast %get3A_4 : vector<8x1xi32> to vector<8x100000xi32>
    %ge3A_14 = arith.cmpi sge, %iota3A, %ge3A : vector<8x100000xi32>
    %and3A_15 = arith.andi %eq3A_13, %ge3A_14 : vector<8x100000xi1>
    %or3A = arith.ori %gt3A_12, %and3A_15 : vector<8x100000xi1>
    %jit3A = arith.constant 0xFF800000 : f32
    %broadcast_in_dim3A = vector.broadcast %jit3A : f32 to vector<8x100000xf32>
    %select_n3A = arith.select %or3A, %get3A_7, %broadcast_in_dim3A : vector<8x100000xi1>, vector<8x100000xf32>
    %swap3A = arith.constant 0 : index
    %swap3A_16 = arith.constant 0 : index
    %swap3A_17 = vector.load %arg4[%swap3A, %swap3A_16] : memref<8x100000xf32, #tpu.memory_space<vmem>>, vector<8x100000xf32>
    tpu.vector_store %arg4[%swap3A, %swap3A_16], %select_n3A {strides = array<i32>} : memref<8x100000xf32, #tpu.memory_space<vmem>>, vector<8x100000xf32>,
    return
  }
  func.func @transform_0(%arg0: i32) -> (i32, i32) {
    %c0_i32 = arith.constant 0 : i32
    %c0_i32_0 = arith.constant 0 : i32
    return %arg0, %c0_i32 : i32, i32
  }
  func.func @transform_1(%arg0: i32) -> (i32, i32) {
    %c0_i32 = arith.constant 0 : i32
    %c0_i32_0 = arith.constant 0 : i32
    return %arg0, %c0_i32 : i32, i32
  }
  func.func @transform_2(%arg0: i32) -> (i32, i32) {
    %c0_i32 = arith.constant 0 : i32
    %c0_i32_0 = arith.constant 0 : i32
    return %arg0, %c0_i32 : i32, i32
  }
  func.func @transform_3(%arg0: i32) -> (i32, i32) {
    %c0_i32 = arith.constant 0 : i32
    %c0_i32_0 = arith.constant 0 : i32
    return %arg0, %c0_i32 : i32, i32
  }
}

</mosaic_0001>

<sc_bundles>
// kernel: kernel.6.cloned.1.call-start
scs
__scs_entry_jumppad:
0x0: {  	(pc) =	sbr.rel $0x88, $3  }
0x1: {  	(tag) =	ssettag $0x0;
	lr =	simm.s32 $0x1  }
0x2: {  	[smem:$0x3F9E] =	sst lr;
	_ =	strace $0xD0000000  }
0x3: {  	_ = 	snop  }
0x4: {  	_ = 	snop  }
0x5: {  	_ = 	snop  }
0x6: {  	_ = 	snop  }
0x7: {  	_ = 	snop  }
__scs_overlays_trampoline_lowered:
0x8: {  	[smem:$0x3FAD] =	sst s0  }
0x9: {  	[smem:$0x3FAE] =	sst s1  }
0xa: {  	[smem:$0x3FAF] =	sst s2  }
0xb: {  	[smem:$0x3FB0] =	sst s3  }
0xc: {  	[smem:$0x3FB1] =	sst s4  }
0xd: {  	[smem:$0x3FB2] =	sst s5  }
0xe: {  	[smem:$0x3FB3] =	sst s6  }
0xf: {  	[smem:$0x3FB4] =	sst s7  }
0x10: {  	[smem:$0x3FB5] =	sst s8  }
0x11: {  	[smem:$0x3FB6] =	sst s9;
	s0 =	simm.s32 @!p0 $0x0  }
0x12: {  	s1 =	sld [smem:$0x3F9C];
	s0 =	simm.s32 @p0 $0x1  }
0x13: {  	[smem:$0x3FB7] =	sst s0;
	s0 =	simm.s32 @!p1 $0x0  }
0x14: {  	s2 =	sld [smem:$0x3F9B];
	s0 =	simm.s32 @p1 $0x1  }
0x15: {  	[smem:$0x3FB8] =	sst s0;
	s0 =	simm.s32 @!p2 $0x0  }
0x16: {  	s3 =	sld [smem:$0x3FDB];
	s0 =	simm.s32 @p2 $0x1  }
0x17: {  	s4 =	simm.s32 $0x1BF5;
	[smem:$0x3FBA] =	sst s0  }
0x18: {  	s0 =	sld [smem:$0x3F9D];
	_ =	swait.ge [sflag:s4], $0x0  }
0x19: {  	s7 =	sld [smem:$0x3F9E]  }
0x1a: {  	s8 =	sadd.s32 $0xFFFFE003, lr  }
0x1b: {  	s9 =	sadd.s32 $0xFFFFFEF7, lr;
	s5 =	simm.s32 $0xFFFFFFFF;
	p2 =	slt.u32 s8, $0xFFFFF086  }
0x1c: {  	p1 =	slt.u32 s9, $0xF7A;
	s5 =	simm.s32 @!p2 $0x0  }
0x1d: {  	s5 =	simm.s32 @p1 $0x1;
	p0 =	seq.s32 s7, s2  }
0x1e: {  	s7 =	smul.u32 @!p0 $0xF7A, s2;
	p2 =	seq.s32 @!p0 s5, $0x0  }
0x1f: {  	s9 =	smul.u32 $0xF7A, s1;
	s8 =	simm.s32 @!p0 $0x1BF5;
	p2 =	por !p2, p0  }
0x20: {  	[sflag:s8] =	ssyncset.s32 @!p0 $0xFFFFF086;
	s6 =	sadd.s32 @!p0 s3, s7;
	s7 =	simm.s32 @!p0 $0x108  }
0x21: {  	s3 =	sadd.s32 s3, s9;
	s6 =	sadd.s32 @!p0 $0x88, s6;
	s7 =	simm.s32 @p2 $0x1082  }
0x22: {  	[simem:s7], [sflag:s8] =	dma.local @!p0 [hbm:s6], $0xF7A  }
0x23: {  	s9 =	sor.u32 $0xD0000000, s2;
	s6 =	simm.s32 $0x108;
	_ =	swait.ge @!p0 [sflag:s8], $0x0  }
0x24: {  	s3 =	sadd.s32 $0x88, s3;
	s6 =	simm.s32 @!p1 $0x1082;
	[sflag:s4] =	ssyncset.s32 $0xFFFFF086  }
0x25: {  	[simem:s6], [sflag:s4] =	dma.local [hbm:s3], $0xF7A  }
0x26: {  	[smem:$0x3F9E] =	sst s1;
	(tag) =	ssettag s2;
	_ =	strace s9  }
0x27: {  	s1 =	sld [smem:$0x3FAE]  }
0x28: {  	s2 =	sld [smem:$0x3FAF]  }
0x29: {  	s4 =	sld [smem:$0x3FB1]  }
0x2a: {  	p0 =	seq.s32 s5, $0x0;
	s5 =	sld [smem:$0x3FB2]  }
0x2b: {  	s6 =	sld [smem:$0x3FB3]  }
0x2c: {  	s7 =	sld [smem:$0x3FB4]  }
0x2d: {  	s3 =	simm.s32 $0x108;
	s8 =	sld [smem:$0x3FB5]  }
0x2e: {  	s3 =	simm.s32 @!p0 $0x1082;
	s9 =	sld [smem:$0x3FB6]  }
0x2f: {  	lr =	sadd.s32 s0, s3;
	s0 =	sld [smem:$0x3FAD]  }
0x30: {  	s3 =	sld [smem:$0x3FB0]  }
0x31: {  	[smem:$0x3FB9] =	sst s10  }
0x32: {  	s10 =	sld [smem:$0x3FB7];
	_ =	sdelay $0x3  }
0x33: {  	p0 =	seq.s32 s10, $0x1;
	s10 =	sld [smem:$0x3FB9];
	_ =	sdelay $0x3  }
0x34: {  	[smem:$0x3FB9] =	sst s10  }
0x35: {  	s10 =	sld [smem:$0x3FB8];
	_ =	sdelay $0x3  }
0x36: {  	p1 =	seq.s32 s10, $0x1;
	s10 =	sld [smem:$0x3FB9];
	_ =	sdelay $0x3  }
0x37: {  	[smem:$0x3FB9] =	sst s10  }
0x38: {  	s10 =	sld [smem:$0x3FBA]  }
0x39: {  	_ = 	snop;
	(pc) =	sbr.ind lr, $3  }
0x3a: {  	_ = 	snop  }
0x3b: {  	_ = 	snop  }
0x3c: {  	p2 =	seq.s32 s10, $0x1;
	s10 =	sld [smem:$0x3FB9]  }
0x3d: {  	_ =	shalt  }
0x3e: {  	_ =	shalt  }
0x3f: {  	_ =	shalt  }
0x40: {  	_ =	shalt  }
0x41: {  	_ =	shalt  }
0x42: {  	_ =	shalt  }
0x43: {  	_ =	shalt  }
0x44: {  	_ =	shalt  }
0x45: {  	_ =	shalt  }
0x46: {  	_ =	shalt  }
0x47: {  	_ =	shalt  }
0x48: {  	_ =	shalt  }
0x49: {  	_ =	shalt  }
0x4a: {  	_ =	shalt  }
0x4b: {  	_ =	shalt  }
0x4c: {  	_ =	shalt  }
0x4d: {  	_ =	shalt  }
0x4e: {  	_ =	shalt  }
0x4f: {  	_ =	shalt  }
0x50: {  	_ =	shalt  }
0x51: {  	_ =	shalt  }
0x52: {  	_ =	shalt  }
0x53: {  	_ =	shalt  }
0x54: {  	_ =	shalt  }
0x55: {  	_ =	shalt  }
0x56: {  	_ =	shalt  }
0x57: {  	_ =	shalt  }
0x58: {  	_ =	shalt  }
0x59: {  	_ =	shalt  }
0x5a: {  	_ =	shalt  }
0x5b: {  	_ =	shalt  }
0x5c: {  	_ =	shalt  }
0x5d: {  	_ =	shalt  }
0x5e: {  	_ =	shalt  }
0x5f: {  	_ =	shalt  }
0x60: {  	_ =	shalt  }
0x61: {  	_ =	shalt  }
0x62: {  	_ =	shalt  }
0x63: {  	_ =	shalt  }
0x64: {  	_ =	shalt  }
0x65: {  	_ =	shalt  }
0x66: {  	_ =	shalt  }
0x67: {  	_ =	shalt  }
0x68: {  	_ =	shalt  }
0x69: {  	_ =	shalt  }
0x6a: {  	_ =	shalt  }
0x6b: {  	_ =	shalt  }
0x6c: {  	_ =	shalt  }
0x6d: {  	_ =	shalt  }
0x6e: {  	_ =	shalt  }
0x6f: {  	_ =	shalt  }
0x70: {  	_ =	shalt  }
0x71: {  	_ =	shalt  }
0x72: {  	_ =	shalt  }
0x73: {  	_ =	shalt  }
0x74: {  	_ =	shalt  }
0x75: {  	_ =	shalt  }
0x76: {  	_ =	shalt  }
0x77: {  	_ =	shalt  }
0x78: {  	_ =	shalt  }
0x79: {  	_ =	shalt  }
0x7a: {  	_ =	shalt  }
0x7b: {  	_ =	shalt  }
0x7c: {  	_ =	shalt  }
0x7d: {  	_ =	shalt  }
0x7e: {  	_ =	shalt  }
0x7f: {  	_ =	shalt  }
0x80: {  	_ =	shalt  }
0x81: {  	_ =	shalt  }
0x82: {  	_ =	shalt  }
0x83: {  	_ =	shalt  }
0x84: {  	_ =	shalt  }
0x85: {  	_ =	shalt  }
0x86: {  	_ =	shalt  }
0x87: {  	_ =	shalt  }
.Lfunc_end0:
.L_simem_size_0:
called_computation_lowered:
.L_overlay_start_0:
0x88: {  	s2 =	sld [smem:$0x3FD9]  }
0x89: {  	s3 =	sld [smem:$0x3FFE];
	_ =	sdelay $0x1  }
0x8a: {  	s1 =	srdreg.scid  }
0x8b: {  	s0 =	sand.u32 $0x1, s1  }
0x8c: {  	s17 =	sshll.u32 s0, $0xA;
	s2 =	sadd.s32 s3, s2  }
0x8d: {  	s2 =	sadd.s32 s2, s17  }
0x8e: {  	[smem:$0x3FC5] =	sst s2  }
0x8f: {  	_ = 	snop  }
0x90: {  	s2 =	sld [smem:$0x3FD0];
	(tm) =	ssettm $0x1  }
0x91: {  	s18 =	sld [smem:$0x3FFB];
	_ =	sdelay $0x3  }
0x92: {  	_ =	strace s18  }
0x93: {  	s3 =	sld [smem:$0x3FFC];
	_ =	sdelay $0x3  }
0x94: {  	_ =	strace s3  }
0x95: {  	s3 =	sld [smem:$0x3FFD];
	_ =	sdelay $0x3  }
0x96: {  	_ =	strace s3  }
0x97: {  	_ =	strace $0x8FFFFFFF  }
0x98: {  	s19 =	sld [smem:$0x3FDB];
	_ =	sdelay $0x1  }
0x99: {  	s4 =	simm.s32 $_scs_section_size  }
0x9a: {  	s5 =	simm.s32 $_size__tile_overlayer_lowered;
	s6 =	simm.s32 $_tile_overlayer_lowered  }
0x9b: {  	s22 =	simm.s32 $0x1BFF;
	s21 =	sshll.u32 s6, $0x1;
	s3 =	sadd.s32 s4, s19  }
0x9c: {  	s7 =	simm.s32 $0x0;
	s20 =	sshll.u32 s5, $0x1;
	s5 =	sadd.s32 s21, s3  }
0x9d: {  	[timem:s7], [sflag:s22] =	dma.local [hbm:s5], s20  }
0x9e: {  	_ =	swait.ge [sflag:s22], s20  }
0x9f: {  	s4 =	ssub.s32 $0x0, s20;
	[sflag:s22] =	ssyncset.done $0x0  }
0xa0: {  	[sflag:s22] =	ssyncadd.s32 s4;
	_ =	sdelay $0x1  }
0xa1: {  	s23 =	simm.s32 $0x1B8B  }
0xa2: {  	_ =	swait.ge [sflag:s23], $0x1  }
0xa3: {  	[sflag:s23] =	ssyncset.done $0x0  }
0xa4: {  	s25 =	simm.s32 $0x1B8E;
	s24 =	sld [smem:$0x3FFE];
	[sflag:s23] =	ssyncadd.s32 $0xFFFFFFFF  }
0xa5: {  	s26 =	simm.s32 $execute0_lowered;
	[smem:$0x3FD2] =	sst s25  }
0xa6: {  	s5 =	sshll.u32 s26, $0x1;
	_ =	strace $0x80000046;
	[dreg:$0x1] =	wrdreg $0xFFFFFFFF  }
0xa7: {  	s28 =	simm.s32 $_size_execute0_lowered;
	s3 =	sadd.s32 s3, s5;
	[dreg:$0x0] =	wrdreg $0x0  }
0xa8: {  	s5 =	sshll.u32 s28, $0x1;
	[dreg:$0x2] =	wrdreg s3  }
0xa9: {  	[dreg:$0x3] =	wrdreg s5  }
0xaa: {  	[dreg:$0x4] =	wrdreg $0xC0  }
0xab: {  	_ =	task [dreg:s7], $0x5FFFF  }
0xac: {  	[dreg:$0x1] =	wrdreg $0xFFFFFFFF  }
0xad: {  	[dreg:$0x0] =	wrdreg $0x60  }
0xae: {  	[dreg:$0x2] =	wrdreg s24  }
0xaf: {  	[dreg:$0x3] =	wrdreg s2  }
0xb0: {  	[dreg:$0x4] =	wrdreg $0x9  }
0xb1: {  	_ =	task.clear_ibuf [dreg:s7], $0x5FFFF;
	_ =	strace $0x90000046  }
0xb2: {  	s29 =	simm.s32 $0x9;
	_ =	strace $0x80000048  }
0xb3: {  	_ =	swait.ge [sflag:s29], $0x1  }
0xb4: {  	[sflag:s29] =	ssyncadd.s32 $0xFFFFFFFF  }
0xb5: {  	_ =	strace $0x90000048  }
0xb6: {  	_ =	sfence  }
0xb7: {  	s30 =	sld [smem:$0x0];
	_ =	sdelay $0x2  }
0xb8: {  	s31 =	sshll.u32 s1, $0xD;
	s1 =	sshrl.u32 s1, $0x2  }
0xb9: {  	s3 =	sand.u32 $0x4000, s31;
	s1 =	sadd.s32 s1, s30  }
0xba: {  	s0 =	sor.u32 s3, s0;
	s1 =	sshll.u32 s1, $0x11  }
0xbb: {  	s0 =	sor.u32 s1, s0  }
0xbc: {  	s0 =	sadd.s32 $0x8F2B, s0  }
0xbd: {  	[sflag:s0] =	ssyncadd.remote.s32 $0x1  }
0xbe: {  	_ =	sfence.sel $0xFFFF  }
0xbf: {  	[dreg:$0x0] =	wrdreg $0xFFFFFFFF;
	(pc) =	sbr.abs _section_cstart, $3  }
0xc0: {  	[dreg:$0x1] =	wrdreg $0xFFFFFFFF  }
0xc1: {  	_ =	task.clear_ibuf [dreg:s7], $0x2FFFF;
	_ =	strace $0x9FFFFFFF  }
0xc2: {  	(tm) =	ssettm $0x7FFFFFFF  }
0xc3: {  	_ =	shalt  }
tec
execute0_lowered:
.L_overlay_start_1:
0x0: {  	(tag) =	ssettag $0x1  }
0x1: {  	s11 =	rddreg [dreg:$0x0];
	s1 =	srdreg.scid  }
0x2: {  	s0 =	stileid.u32;
	s23 =	rddreg [dreg:$0x1]  }
0x3: {  	s2 =	simm.s32 $0x0;
	s24 =	sand.u32 $0x1, s1;
	s21 =	smul.u32 $0xC3800, s0  }
0x4: {  	s4 =	simm.s32 $0x80;
	s6 =	simm.s32 $0x400;
	s28 =	sshll.u32 s24, $0x9  }
0x5: {  	s5 =	simm.s32 $0x1;
	s1 =	rddreg [dreg:$0x2];
	s3 =	sor.u32 s28, s21  }
0x6: {  	[smem:$0x7FF] =	sst s2;
	s25 =	sadd.s32 $0xE00, s11;
	s3 =	sshrl.u32 s3, $0x3  }
0x7: {  	s22 =	sshll.u32 s0, $0xA;
	_ =	strace $0x80000047;
	s3 =	sadd.s32 s25, s3  }
0x8: {  	[tilespmem:s2], [sflag:$0x1] =	stream.strided.gather [hbm4b:s3+s4], $0x18700, s6, s4, $0x38;
	[tilespmem:$0x1B780] =	vst v63  }
0x9: {  	s8 =	simm.s32 $0x1B700;
	s7 =	sor.u32 s28, s22;
	_ =	swait.ge [sflag:s5], $0x18700  }
0xa: {  	s26 =	sadd.s32 $0x187E00, s11;
	s7 =	sshrl.u32 s7, $0x3;
	[sflag:s5] =	ssyncset.done $0x0  }
0xb: {  	s30 =	smul.u32 $0xC000, s0;
	s7 =	sadd.s32 s26, s7;
	[sflag:s5] =	ssyncadd.s32 $0xFFFE7900  }
0xc: {  	[tilespmem:s8], [sflag:$0x1] =	stream.linear.gather [hbm4b:s7+s2], $0x80, $0x38;
	[tilespmem:$0x1B780] =	vst v63  }
0xd: {  	s9 =	sor.u32 s28, s30;
	_ =	swait.ge [sflag:s5], $0x80  }
0xe: {  	s12 =	sshrl.u32 s9, $0x3;
	[sflag:s5] =	ssyncset.done $0x0  }
0xf: {  	s10 =	simm.s32 $0x18700;
	s9 =	sadd.s32 s23, s12;
	[sflag:s5] =	ssyncadd.s32 $0xFFFFFF80  }
0x10: {  	[hbm4b:s9+s4] =	stream.strided.scatter [tilespmem:s10], [sflag:$0x1], $0x1800, s6, s4, $0x38;
	[tilespmem:$0x1B780] =	vst v63  }
0x11: {  	_ =	swait.ge [sflag:s5], $0x1800  }
0x12: {  	s29 =	sadd.s32 $0x188600, s11;
	s15 =	sor.u32 $0x80, s28;
	[sflag:s5] =	ssyncset.done $0x0  }
0x13: {  	s11 =	sadd.s32 s29, s12;
	s12 =	simm.s32 $0x19F00;
	[sflag:s5] =	ssyncadd.s32 $0xFFFFE800  }
0x14: {  	[hbm4b:s11+s4] =	stream.strided.scatter [tilespmem:s12], [sflag:$0x1], $0x1800, s6, s4, $0x38;
	[tilespmem:$0x1B780] =	vst v63  }
0x15: {  	s13 =	sor.u32 s21, s15;
	_ =	swait.ge [sflag:s5], $0x1800  }
0x16: {  	s13 =	sshrl.u32 s13, $0x3;
	[sflag:s5] =	ssyncset.done $0x0  }
0x17: {  	s13 =	sadd.s32 s25, s13;
	[sflag:s5] =	ssyncadd.s32 $0xFFFFE800  }
0x18: {  	[tilespmem:s2], [sflag:$0x1] =	stream.strided.gather [hbm4b:s13+s4], $0x18700, s6, s4, $0x38;
	[tilespmem:$0x1B780] =	vst v63  }
0x19: {  	s14 =	sor.u32 s22, s15;
	_ =	swait.ge [sflag:s5], $0x18700  }
0x1a: {  	s14 =	sshrl.u32 s14, $0x3;
	[sflag:s5] =	ssyncset.done $0x0  }
0x1b: {  	s14 =	sadd.s32 s26, s14;
	[sflag:s5] =	ssyncadd.s32 $0xFFFE7900  }
0x1c: {  	[tilespmem:s8], [sflag:$0x1] =	stream.linear.gather [hbm4b:s14+s2], $0x80, $0x38;
	[tilespmem:$0x1B780] =	vst v63  }
0x1d: {  	s15 =	sor.u32 s30, s15;
	_ =	swait.ge [sflag:s5], $0x80  }
0x1e: {  	s16 =	sshrl.u32 s15, $0x3;
	[sflag:s5] =	ssyncset.done $0x0  }
0x1f: {  	s15 =	sadd.s32 s23, s16;
	[sflag:s5] =	ssyncadd.s32 $0xFFFFFF80  }
0x20: {  	[hbm4b:s15+s4] =	stream.strided.scatter [tilespmem:s10], [sflag:$0x1], $0x1800, s6, s4, $0x38;
	[tilespmem:$0x1B780] =	vst v63  }
0x21: {  	_ =	swait.ge [sflag:s5], $0x1800  }
0x22: {  	[sflag:s5] =	ssyncset.done $0x0  }
0x23: {  	s19 =	sor.u32 $0x100, s28;
	s16 =	sadd.s32 s29, s16;
	[sflag:s5] =	ssyncadd.s32 $0xFFFFE800  }
0x24: {  	[hbm4b:s16+s4] =	stream.strided.scatter [tilespmem:s12], [sflag:$0x1], $0x1800, s6, s4, $0x38;
	[tilespmem:$0x1B780] =	vst v63  }
0x25: {  	s17 =	sor.u32 s21, s19;
	_ =	swait.ge [sflag:s5], $0x1800  }
0x26: {  	s17 =	sshrl.u32 s17, $0x3;
	[sflag:s5] =	ssyncset.done $0x0  }
0x27: {  	s17 =	sadd.s32 s25, s17;
	[sflag:s5] =	ssyncadd.s32 $0xFFFFE800  }
0x28: {  	[tilespmem:s2], [sflag:$0x1] =	stream.strided.gather [hbm4b:s17+s4], $0x18700, s6, s4, $0x38;
	[tilespmem:$0x1B780] =	vst v63  }
0x29: {  	s18 =	sor.u32 s22, s19;
	_ =	swait.ge [sflag:s5], $0x18700  }
0x2a: {  	s18 =	sshrl.u32 s18, $0x3;
	[sflag:s5] =	ssyncset.done $0x0  }
0x2b: {  	s18 =	sadd.s32 s26, s18;
	[sflag:s5] =	ssyncadd.s32 $0xFFFE7900  }
0x2c: {  	[tilespmem:s8], [sflag:$0x1] =	stream.linear.gather [hbm4b:s18+s2], $0x80, $0x38;
	[tilespmem:$0x1B780] =	vst v63  }
0x2d: {  	s19 =	sor.u32 s30, s19;
	_ =	swait.ge [sflag:s5], $0x80  }
0x2e: {  	s20 =	sshrl.u32 s19, $0x3;
	[sflag:s5] =	ssyncset.done $0x0  }
0x2f: {  	s19 =	sadd.s32 s23, s20;
	[sflag:s5] =	ssyncadd.s32 $0xFFFFFF80  }
0x30: {  	[hbm4b:s19+s4] =	stream.strided.scatter [tilespmem:s10], [sflag:$0x1], $0x1800, s6, s4, $0x38;
	[tilespmem:$0x1B780] =	vst v63  }
0x31: {  	_ =	swait.ge [sflag:s5], $0x1800  }
0x32: {  	[sflag:s5] =	ssyncset.done $0x0  }
0x33: {  	s28 =	sor.u32 $0x180, s28;
	s20 =	sadd.s32 s29, s20;
	[sflag:s5] =	ssyncadd.s32 $0xFFFFE800  }
0x34: {  	[hbm4b:s20+s4] =	stream.strided.scatter [tilespmem:s12], [sflag:$0x1], $0x1800, s6, s4, $0x38;
	[tilespmem:$0x1B780] =	vst v63  }
0x35: {  	s21 =	sor.u32 s21, s28;
	_ =	swait.ge [sflag:s5], $0x1800  }
0x36: {  	s21 =	sshrl.u32 s21, $0x3;
	[sflag:s5] =	ssyncset.done $0x0  }
0x37: {  	s21 =	sadd.s32 s25, s21;
	[sflag:s5] =	ssyncadd.s32 $0xFFFFE800  }
0x38: {  	[tilespmem:s2], [sflag:$0x1] =	stream.strided.gather [hbm4b:s21+s4], $0x18700, s6, s4, $0x38;
	[tilespmem:$0x1B780] =	vst v63  }
0x39: {  	s22 =	sor.u32 s22, s28;
	_ =	swait.ge [sflag:s5], $0x18700  }
0x3a: {  	s22 =	sshrl.u32 s22, $0x3;
	[sflag:s5] =	ssyncset.done $0x0  }
0x3b: {  	s24 =	ssub.s32 $0x2, s24;
	s22 =	sadd.s32 s26, s22;
	[sflag:s5] =	ssyncadd.s32 $0xFFFE7900  }
0x3c: {  	[tilespmem:s8], [sflag:$0x1] =	stream.linear.gather [hbm4b:s22+s2], $0x80, $0x38;
	[tilespmem:$0x1B780] =	vst v63  }
0x3d: {  	s28 =	sor.u32 s30, s28;
	s30 =	sshrl.u32 s24, $0x1;
	_ =	swait.ge [sflag:s5], $0x80  }
0x3e: {  	s25 =	sshrl.u32 s28, $0x3;
	s26 =	ssub.s32 s24, s30;
	[sflag:s5] =	ssyncset.done $0x0  }
0x3f: {  	s23 =	sadd.s32 s23, s25;
	s31 =	smax.u32 s26, $0x1;
	[sflag:s5] =	ssyncadd.s32 $0xFFFFFF80  }
0x40: {  	[hbm4b:s23+s4] =	stream.strided.scatter [tilespmem:s10], [sflag:$0x1], $0x1800, s6, s4, $0x38;
	[tilespmem:$0x1B780] =	vst v63  }
0x41: {  	p0 =	sne.s32 s31, $0x1;
	_ =	swait.ge [sflag:s5], $0x1800  }
.Ltmp0:
0x42: {  	[sflag:s5] =	ssyncset.done $0x0;
	(pc) =	sbr.rel @!p0 .LBB2_2-.Ltmp0, $4  }
0x43: {  	s24 =	sadd.s32 s29, s25;
	[sflag:s5] =	ssyncadd.s32 $0xFFFFE800  }
0x44: {  	[hbm4b:s24+s4] =	stream.strided.scatter [tilespmem:s12], [sflag:$0x1], $0x1800, s6, s4, $0x38;
	[tilespmem:$0x1B780] =	vst v63  }
0x45: {  	_ =	swait.ge [sflag:s5], $0x1800  }
0x46: {  	s25 =	sadd.s32 $0xFFFFFFFF, s31;
	[sflag:s5] =	ssyncset.done $0x0  }
.LBB2_1:
0x47: {  	p0 =	sne.s32 s25, $0x1;
	s25 =	sadd.s32 $0xFFFFFFFF, s25;
	[sflag:s5] =	ssyncadd.s32 $0xFFFFE800  }
0x48: {  	[tilespmem:s2], [sflag:$0x1] =	stream.strided.gather [hbm4b:s3+s4], $0x18700, s6, s4, $0x38;
	[tilespmem:$0x1B780] =	vst v63  }
0x49: {  	_ =	swait.ge [sflag:s5], $0x18700  }
0x4a: {  	[sflag:s5] =	ssyncset.done $0x0  }
0x4b: {  	[sflag:s5] =	ssyncadd.s32 $0xFFFE7900  }
0x4c: {  	[tilespmem:s8], [sflag:$0x1] =	stream.linear.gather [hbm4b:s7+s2], $0x80, $0x38;
	[tilespmem:$0x1B780] =	vst v63  }
0x4d: {  	_ =	swait.ge [sflag:s5], $0x80  }
0x4e: {  	[sflag:s5] =	ssyncset.done $0x0  }
0x4f: {  	[sflag:s5] =	ssyncadd.s32 $0xFFFFFF80  }
0x50: {  	[hbm4b:s9+s4] =	stream.strided.scatter [tilespmem:s10], [sflag:$0x1], $0x1800, s6, s4, $0x38;
	[tilespmem:$0x1B780] =	vst v63  }
0x51: {  	_ =	swait.ge [sflag:s5], $0x1800  }
0x52: {  	[sflag:s5] =	ssyncset.done $0x0  }
0x53: {  	[sflag:s5] =	ssyncadd.s32 $0xFFFFE800  }
0x54: {  	[hbm4b:s11+s4] =	stream.strided.scatter [tilespmem:s12], [sflag:$0x1], $0x1800, s6, s4, $0x38;
	[tilespmem:$0x1B780] =	vst v63  }
0x55: {  	_ =	swait.ge [sflag:s5], $0x1800  }
0x56: {  	[sflag:s5] =	ssyncset.done $0x0  }
0x57: {  	[sflag:s5] =	ssyncadd.s32 $0xFFFFE800  }
0x58: {  	[tilespmem:s2], [sflag:$0x1] =	stream.strided.gather [hbm4b:s13+s4], $0x18700, s6, s4, $0x38;
	[tilespmem:$0x1B780] =	vst v63  }
0x59: {  	_ =	swait.ge [sflag:s5], $0x18700  }
0x5a: {  	[sflag:s5] =	ssyncset.done $0x0  }
0x5b: {  	[sflag:s5] =	ssyncadd.s32 $0xFFFE7900  }
0x5c: {  	[tilespmem:s8], [sflag:$0x1] =	stream.linear.gather [hbm4b:s14+s2], $0x80, $0x38;
	[tilespmem:$0x1B780] =	vst v63  }
0x5d: {  	_ =	swait.ge [sflag:s5], $0x80  }
0x5e: {  	[sflag:s5] =	ssyncset.done $0x0  }
0x5f: {  	[sflag:s5] =	ssyncadd.s32 $0xFFFFFF80  }
0x60: {  	[hbm4b:s15+s4] =	stream.strided.scatter [tilespmem:s10], [sflag:$0x1], $0x1800, s6, s4, $0x38;
	[tilespmem:$0x1B780] =	vst v63  }
0x61: {  	_ =	swait.ge [sflag:s5], $0x1800  }
0x62: {  	[sflag:s5] =	ssyncset.done $0x0  }
0x63: {  	[sflag:s5] =	ssyncadd.s32 $0xFFFFE800  }
0x64: {  	[hbm4b:s16+s4] =	stream.strided.scatter [tilespmem:s12], [sflag:$0x1], $0x1800, s6, s4, $0x38;
	[tilespmem:$0x1B780] =	vst v63  }
0x65: {  	_ =	swait.ge [sflag:s5], $0x1800  }
0x66: {  	[sflag:s5] =	ssyncset.done $0x0  }
0x67: {  	[sflag:s5] =	ssyncadd.s32 $0xFFFFE800  }
0x68: {  	[tilespmem:s2], [sflag:$0x1] =	stream.strided.gather [hbm4b:s17+s4], $0x18700, s6, s4, $0x38;
	[tilespmem:$0x1B780] =	vst v63  }
0x69: {  	_ =	swait.ge [sflag:s5], $0x18700  }
0x6a: {  	[sflag:s5] =	ssyncset.done $0x0  }
0x6b: {  	[sflag:s5] =	ssyncadd.s32 $0xFFFE7900  }
0x6c: {  	[tilespmem:s8], [sflag:$0x1] =	stream.linear.gather [hbm4b:s18+s2], $0x80, $0x38;
	[tilespmem:$0x1B780] =	vst v63  }
0x6d: {  	_ =	swait.ge [sflag:s5], $0x80  }
0x6e: {  	[sflag:s5] =	ssyncset.done $0x0  }
0x6f: {  	[sflag:s5] =	ssyncadd.s32 $0xFFFFFF80  }
0x70: {  	[hbm4b:s19+s4] =	stream.strided.scatter [tilespmem:s10], [sflag:$0x1], $0x1800, s6, s4, $0x38;
	[tilespmem:$0x1B780] =	vst v63  }
0x71: {  	_ =	swait.ge [sflag:s5], $0x1800  }
0x72: {  	[sflag:s5] =	ssyncset.done $0x0  }
0x73: {  	[sflag:s5] =	ssyncadd.s32 $0xFFFFE800  }
0x74: {  	[hbm4b:s20+s4] =	stream.strided.scatter [tilespmem:s12], [sflag:$0x1], $0x1800, s6, s4, $0x38;
	[tilespmem:$0x1B780] =	vst v63  }
0x75: {  	_ =	swait.ge [sflag:s5], $0x1800  }
0x76: {  	[sflag:s5] =	ssyncset.done $0x0  }
0x77: {  	[sflag:s5] =	ssyncadd.s32 $0xFFFFE800  }
0x78: {  	[tilespmem:s2], [sflag:$0x1] =	stream.strided.gather [hbm4b:s21+s4], $0x18700, s6, s4, $0x38;
	[tilespmem:$0x1B780] =	vst v63  }
0x79: {  	_ =	swait.ge [sflag:s5], $0x18700  }
0x7a: {  	[sflag:s5] =	ssyncset.done $0x0  }
0x7b: {  	[sflag:s5] =	ssyncadd.s32 $0xFFFE7900  }
0x7c: {  	[tilespmem:s8], [sflag:$0x1] =	stream.linear.gather [hbm4b:s22+s2], $0x80, $0x38;
	[tilespmem:$0x1B780] =	vst v63  }
0x7d: {  	_ =	swait.ge [sflag:s5], $0x80  }
0x7e: {  	[sflag:s5] =	ssyncset.done $0x0  }
0x7f: {  	[sflag:s5] =	ssyncadd.s32 $0xFFFFFF80  }
0x80: {  	[hbm4b:s23+s4] =	stream.strided.scatter [tilespmem:s10], [sflag:$0x1], $0x1800, s6, s4, $0x38;
	[tilespmem:$0x1B780] =	vst v63  }
0x81: {  	_ =	swait.ge [sflag:s5], $0x1800  }
.Ltmp1:
0x82: {  	[sflag:s5] =	ssyncset.done $0x0;
	(pc) =	sbr.rel @p0 .LBB2_1-.Ltmp1, $4  }
0x83: {  	[sflag:s5] =	ssyncadd.s32 $0xFFFFE800  }
0x84: {  	[hbm4b:s24+s4] =	stream.strided.scatter [tilespmem:s12], [sflag:$0x1], $0x1800, s6, s4, $0x38;
	[tilespmem:$0x1B780] =	vst v63  }
0x85: {  	_ =	swait.ge [sflag:s5], $0x1800  }
0x86: {  	[sflag:s5] =	ssyncset.done $0x0  }
.LBB2_2:
0x87: {  	[sflag:s5] =	ssyncadd.s32 $0xFFFFE800  }
0x88: {  	_ =	sfence.sel $0x180000  }
0x89: {  	[bflag:$0x0] =	sbarrier.arrive $0xFFFF  }
0x8a: {  	p0 =	sne.s32 s0, $0x0;
	_ =	strace $0x90000047  }
0x8b: {  	s0 =	sadd.s32 @!p0 $0x100000, s1;
	[bflag:$0x2] =	sbarrier.arrive $0xFFFF  }
0x8c: {  	[sflag:s0] =	ssyncadd.tile.s32 @!p0 $0x1;
	_ =	shalt  }
.Lfunc_end2:
_tile_overlayer_lowered:
.L_overlay_start_2:
0x8d: {  	(tag) =	ssettag $0x2  }
0x8e: {  	s0 =	rddreg [dreg:$0x0];
	s2 =	stileid.u32  }
0x8f: {  	s1 =	rddreg [dreg:$0x1];
	p0 =	sne.s32 s2, $0x0  }
0x90: {  	s3 =	rddreg [dreg:$0x2];
	[bflag:$0x3] =	sbarrier.arrive $0xFFFF;
	s2 =	simm.s32 @!p0 $0x1C01  }
0x91: {  	[timem:s3], [sflag:s2] =	dma.local @!p0 [hbm:s0], s1  }
0x92: {  	s0 =	simm.s32 @!p0 $0x1  }
0x93: {  	_ =	swait.ge @!p0 [sflag:s0], s1  }
0x94: {  	s1 =	ssub.s32 @!p0 $0x0, s1;
	[sflag:s0] =	ssyncset.done @!p0 $0x0  }
0x95: {  	[sflag:s0] =	ssyncadd.s32 @!p0 s1  }
0x96: {  	[bflag:$0x3] =	sbarrier.arrive $0xFFFF  }
0x97: {  	_ =	shalt  }

</sc_bundles>
